<compile_context>
chip_gen: v7x
topology: tpu7x:2x2x1
jax: 0.10.2.dev20260603
libtpu: 0.0.44.dev20260713+nightly
codegen_flags: <defaults>
</compile_context>

<pallas_src>
import jax
import jax.numpy as jnp
from jax import lax
from jax.experimental import pallas as pl

B = 16
N_POS = 9
N_NEG = 9
N_NEUT = 7
D = 768
V = 100000
K80 = 80
NEUT_W = 1.0
NEG_W = 0.0
ASSAS_W = -10.0

BV = 2000
NBLK = V // BV

_bf = jnp.bfloat16
_f32 = jnp.float32







NEG_BIG = -1e30


def _scores_body(mo_ref, vb_ref, out_ref, gm_ref):
    v = vb_ref[...]
    tn = v / jnp.maximum(jnp.sqrt(jnp.sum(v * v, axis=1, keepdims=True)), 1e-12)
    s = lax.dot_general(
        mo_ref[...].astype(_bf), tn.astype(_bf), (((1,), (1,)), ((), ())),
        preferred_element_type=_f32)
    out_ref[0] = s
    gm = s[:, 0:128]
    for j in range(1, BV // 128):
        gm = jnp.maximum(gm, s[:, j * 128:(j + 1) * 128])
    tail = BV - (BV // 128) * 128
    if tail:
        pad = jnp.full((B, 128 - tail), NEG_BIG, _f32)
        gm = jnp.maximum(gm, jnp.concatenate([s[:, BV - tail:], pad], axis=1))
    gm_ref[0] = gm


def _stage3_body(wr_ref, sc_ref, idx_ref, refs_ref, w0_ref, mx_ref, mn_ref):
    def body(b, carry):
        wr = wr_ref[b]
        we = wr / jnp.maximum(jnp.sqrt(jnp.sum(wr * wr, axis=1, keepdims=True)), 1e-12)
        refs = refs_ref[b]
        nn = jnp.maximum(jnp.sqrt(jnp.sum(we * we, axis=1)), 1e-8)
        rn = jnp.maximum(jnp.sqrt(jnp.sum(refs * refs, axis=1)), 1e-8)
        num = lax.dot_general(we, refs, (((1,), (1,)), ((), ())),
                              preferred_element_type=_f32,
                              precision=lax.Precision.HIGHEST)
        cos = num / (nn[:, None] * rn[None, :])
        max_nonpos = jnp.max(cos[:, N_POS:], axis=1)
        num_correct = jnp.sum(
            (cos[:, :N_POS] >= max_nonpos[:, None]).astype(_f32), axis=1)
        max_neg = jnp.max(cos[:, N_POS:N_POS + N_NEG], axis=1)
        max_neut = jnp.max(cos[:, N_POS + N_NEG:N_POS + N_NEG + N_NEUT], axis=1)
        sec = jnp.where(max_neg >= max_nonpos, NEG_W,
                        jnp.where(max_neut >= max_nonpos, NEUT_W, ASSAS_W))
        tot = num_correct + sec

        sc = sc_ref[b]
        idx = idx_ref[b]
        sj, si = sc[None, :], sc[:, None]
        ij, ii = idx[None, :], idx[:, None]
        tj, ti = tot[None, :], tot[:, None]
        pref = (sj > si) | ((sj == si) & (ij < ii))
        one = jnp.ones(pref.shape, _f32)
        zero = jnp.zeros(pref.shape, _f32)
        rank_mx = jnp.sum(jnp.where((tj > ti) | ((tj == ti) & pref), one, zero), axis=1)
        rank_mn = jnp.sum(jnp.where((tj < ti) | ((tj == ti) & pref), one, zero), axis=1)
        rank_sc = jnp.sum(jnp.where(pref, one, zero), axis=1)
        in_mx = jnp.where(rank_mx < float(K80 // 2), 1.0, 0.0)
        in_mn = jnp.where(rank_mn < float(K80 // 2), 1.0, 0.0)
        sel0 = jnp.where(rank_sc < 1.0, 1.0, 0.0)
        mx = jnp.sum(in_mx[:, None] * we, axis=0) / float(K80 // 2)
        mn = jnp.sum(in_mn[:, None] * we, axis=0) / float(K80 // 2)
        w0 = jnp.sum(sel0[:, None] * we, axis=0)
        w0_ref[b, :] = w0
        mx_ref[b, :] = mx / jnp.maximum(jnp.sqrt(jnp.sum(mx * mx)), 1e-12)
        mn_ref[b, :] = mn / jnp.maximum(jnp.sqrt(jnp.sum(mn * mn)), 1e-12)
        return carry

    lax.fori_loop(0, B, body, 0)


def _l2n(x, eps=1e-12):
    n = jnp.linalg.norm(x, axis=1, keepdims=True)
    return x / jnp.maximum(n, eps)


def _tc_stages(pos_embs, neg_embs, neut_embs, assassin_emb, vocab_table,
               W1, b1, W2, b2, W3, b3, W4, b4):
    neg_emb = _l2n(jnp.mean(neg_embs, axis=1))
    neut_emb = _l2n(jnp.mean(neut_embs, axis=1))
    pos_emb = _l2n(jnp.mean(pos_embs, axis=1))
    x = jnp.concatenate([neg_emb, assassin_emb, neut_emb, pos_emb], axis=1)
    h = jax.nn.relu(x @ W1 + b1)
    h = jax.nn.relu(h @ W2 + b2)
    h = jax.nn.relu(h @ W3 + b3)
    model_out = _l2n(h @ W4 + b4)
    scores3, gmax3 = pl.pallas_call(
        _scores_body,
        grid=(NBLK,),
        in_specs=[
            pl.BlockSpec((B, D), lambda i: (0, 0)),
            pl.BlockSpec((BV, D), lambda i: (i, 0)),
        ],
        out_specs=(pl.BlockSpec((1, B, BV), lambda i: (i, 0, 0)),
                   pl.BlockSpec((1, B, 128), lambda i: (i, 0, 0))),
        out_shape=(jax.ShapeDtypeStruct((NBLK, B, BV), _f32),
                   jax.ShapeDtypeStruct((NBLK, B, 128), _f32)),
    )(model_out, vocab_table)
    scores = jnp.swapaxes(scores3, 0, 1).reshape(B, V)
    gmax = jnp.swapaxes(gmax3, 0, 1).reshape(B, NBLK * 128)
    return model_out, scores, gmax


def _top80(scores, gmax):
    _, gid = lax.top_k(gmax, K80)
    blk = gid // 128
    lane = gid - blk * 128
    k = jnp.arange(BV // 128 + 1, dtype=jnp.int32)
    cand = blk[:, :, None] * BV + lane[:, :, None] + 128 * k[None, None, :]
    valid = (lane[:, :, None] + 128 * k[None, None, :]) < BV
    cand = jnp.where(valid, cand, 0).reshape(B, -1)
    cs = jnp.take_along_axis(scores, cand, axis=1, mode="clip")
    cs = jnp.where(valid.reshape(B, -1), cs, NEG_BIG)
    sc80, pos = lax.top_k(cs, K80)
    idx80 = jnp.take_along_axis(cand, pos, axis=1, mode="clip")
    return sc80, idx80


def _stage3(word_raw, sc80, idx80, refs):
    return pl.pallas_call(
        _stage3_body,
        out_shape=(
            jax.ShapeDtypeStruct((B, D), _f32),
            jax.ShapeDtypeStruct((B, D), _f32),
            jax.ShapeDtypeStruct((B, D), _f32),
        ),
    )(word_raw, sc80, idx80, refs)



def kernel(pos_embs, neg_embs, neut_embs, assassin_emb, vocab_table,
           W1, b1, W2, b2, W3, b3, W4, b4):
    model_out, scores, gmax = _tc_stages(pos_embs, neg_embs, neut_embs,
                                         assassin_emb, vocab_table,
                                         W1, b1, W2, b2, W3, b3, W4, b4)
    sc80, idx80 = _top80(scores, gmax)
    word_raw = jnp.take(vocab_table, idx80.reshape(-1), axis=0, mode="clip").reshape(B, K80, D)
    refs = jnp.concatenate(
        [pos_embs, neg_embs, neut_embs, assassin_emb[:, None, :]], axis=1)
    word0, maxp, minp = _stage3(word_raw, sc80, idx80, refs)
    return (model_out, word0, maxp, minp)

# --- scband reference (transcript-rebuilt; emitter-appended) ---
"""Pipeline reference for scband-morspy-master-82042465288708 (READ-ONLY COPY).

The authoritative reference and input builder live on the scoring server;
editing this copy changes nothing except your own understanding.
"""

import jax, jax.numpy as jnp
import numpy as np

B = 16
N_POS = 9
N_NEG = 9
N_NEUT = 7
D = 768
V = 100000
VOCAB_SIZE = 80
NEUT_W = 1.0
NEG_W = 0.0
ASSAS_W = -10.0


def _l2norm(x, axis=-1, eps=1e-12):
    n = jnp.linalg.norm(x, axis=axis, keepdims=True)
    return x / jnp.maximum(n, eps)


def _cos(a, b, axis=-1, eps=1e-8):
    num = jnp.sum(a * b, axis=axis)
    den = jnp.maximum(jnp.linalg.norm(a, axis=axis), eps) * jnp.maximum(jnp.linalg.norm(b, axis=axis), eps)
    return num / den


def setup_inputs(seed: int = 0) -> dict:
    key = jax.random.key(seed)
    ks = jax.random.split(key, 16)
    pos_embs = jax.random.normal(ks[0], (B, N_POS, D), dtype=jnp.float32)
    neg_embs = jax.random.normal(ks[1], (B, N_NEG, D), dtype=jnp.float32)
    neut_embs = jax.random.normal(ks[2], (B, N_NEUT, D), dtype=jnp.float32)
    assassin_emb = jax.random.normal(ks[3], (B, D), dtype=jnp.float32)
    vocab_table = jax.random.normal(ks[4], (V, D), dtype=jnp.float32)
    W1 = jax.random.normal(ks[5], (3072, 2304), dtype=jnp.float32) * 0.02
    b1 = jnp.zeros((2304,), dtype=jnp.float32)
    W2 = jax.random.normal(ks[6], (2304, 1700), dtype=jnp.float32) * 0.02
    b2 = jnp.zeros((1700,), dtype=jnp.float32)
    W3 = jax.random.normal(ks[7], (1700, 1000), dtype=jnp.float32) * 0.02
    b3 = jnp.zeros((1000,), dtype=jnp.float32)
    W4 = jax.random.normal(ks[8], (1000, 768), dtype=jnp.float32) * 0.02
    b4 = jnp.zeros((768,), dtype=jnp.float32)
    return {"pos_embs": pos_embs, "neg_embs": neg_embs, "neut_embs": neut_embs,
            "assassin_emb": assassin_emb, "vocab_table": vocab_table,
            "W1": W1, "b1": b1, "W2": W2, "b2": b2, "W3": W3, "b3": b3, "W4": W4, "b4": b4}


def _process_embeddings(embs):
    out = jnp.mean(embs, axis=1)
    return _l2norm(out, axis=1)


def _expand(encs):
    # [B, n, D] -> [B, VOCAB_SIZE, n, D]
    return jnp.broadcast_to(encs[:, None, :, :], (encs.shape[0], VOCAB_SIZE, encs.shape[1], encs.shape[2]))


def _find_search_embeddings(word_embeddings, pos_encs, neg_encs, neut_encs, assas_enc):
    we = word_embeddings[:, :, None, :]  # [B, VOCAB_SIZE, 1, D]
    pos_e = _expand(pos_encs)
    neg_e = _expand(neg_encs)
    neut_e = _expand(neut_encs)
    assas_e = _expand(assas_enc[:, None, :])
    pos_scores = _cos(we, pos_e, axis=3)
    neg_scores = _cos(we, neg_e, axis=3)
    neut_scores = _cos(we, neut_e, axis=3)
    assas_scores = _cos(we, assas_e, axis=3)
    # primary reward
    combined = jnp.concatenate([pos_scores, neg_scores, neut_scores, assas_scores], axis=2)
    order = jnp.argsort(-combined, axis=2)
    rew = jnp.concatenate([jnp.zeros((N_POS,), jnp.float32),
                           jnp.ones((N_NEG,), jnp.float32),
                           jnp.ones((N_NEUT,), jnp.float32),
                           jnp.ones((1,), jnp.float32)])
    rew_b = jnp.broadcast_to(rew, combined.shape)
    rewards = jnp.take_along_axis(rew_b, order, axis=2)
    num_correct = jnp.argmax(rewards, axis=2).astype(jnp.float32)
    # secondary reward
    combined2 = jnp.concatenate([neg_scores, neut_scores, assas_scores], axis=2)
    order2 = jnp.argsort(-combined2, axis=2)
    rew2 = jnp.concatenate([jnp.ones((N_NEG,), jnp.float32) * NEG_W,
                            jnp.ones((N_NEUT,), jnp.float32) * NEUT_W,
                            jnp.ones((1,), jnp.float32) * ASSAS_W])
    rew2_b = jnp.broadcast_to(rew2, combined2.shape)
    rewards2 = jnp.take_along_axis(rew2_b, order2, axis=2)
    secondary = rewards2[:, :, 0]
    tot_reward = num_correct + secondary
    k = word_embeddings.shape[1] // 2
    _, idx_max = jax.lax.top_k(tot_reward, k)
    _, idx_min = jax.lax.top_k(-tot_reward, k)
    gmax = jnp.take_along_axis(word_embeddings, jnp.broadcast_to(idx_max[:, :, None], (idx_max.shape[0], k, D)), axis=1)
    gmin = jnp.take_along_axis(word_embeddings, jnp.broadcast_to(idx_min[:, :, None], (idx_min.shape[0], k, D)), axis=1)
    max_pooled = _process_embeddings(gmax)
    min_pooled = _process_embeddings(gmin)
    return gmax[:, 0], idx_max[:, 0], max_pooled, min_pooled


def reference(pos_embs, neg_embs, neut_embs, assassin_emb, vocab_table,
              W1, b1, W2, b2, W3, b3, W4, b4):
    neg_emb = _process_embeddings(neg_embs)
    neut_emb = _process_embeddings(neut_embs)
    pos_emb = _process_embeddings(pos_embs)
    concatenated = jnp.concatenate([neg_emb, assassin_emb, neut_emb, pos_emb], axis=1)
    h = jax.nn.relu(concatenated @ W1 + b1)
    h = jax.nn.relu(h @ W2 + b2)
    h = jax.nn.relu(h @ W3 + b3)
    model_out = h @ W4 + b4
    model_out = _l2norm(model_out, axis=1)
    # vocab.search: cosine-similarity top-k over normalized vocab table (FAISS-style)
    table_n = _l2norm(vocab_table, axis=1)
    scores = model_out @ table_n.T  # [B, V]
    _, idx = jax.lax.top_k(scores, VOCAB_SIZE)
    word_embeddings = jax.lax.stop_gradient(jnp.take(table_n, idx, axis=0))  # [B, VOCAB_SIZE, D], detached as in torch.tensor(...)
    search_out, search_out_index, search_out_max, search_out_min = _find_search_embeddings(
        word_embeddings, pos_embs, neg_embs, neut_embs, assassin_emb)
    # training branch
    return (model_out, word_embeddings[:, 0], search_out_max, search_out_min)

if __name__ == "__main__":
    import jax
    _d = setup_inputs()
    print(jax.jit(kernel)(*tuple(_d.values())))

</pallas_src>

<mosaic_0001>
module attributes {stable_mosaic.version = 14 : i64} {
  func.func @_scores_body(%arg0: i32, %arg1: memref<16x768xf32, #tpu.memory_space<vmem>>, %arg2: memref<2000x768xf32, #tpu.memory_space<vmem>>, %arg3: memref<1x16x2000xf32, #tpu.memory_space<vmem>>, %arg4: memref<1x16x128xf32, #tpu.memory_space<vmem>>) attributes {dimension_semantics = [#tpu.dimension_semantics<arbitrary>], iteration_bounds = array<i64: 50>, scalar_prefetch = 0 : i64, scratch_operands = 0 : i64, tpu.core_type = #tpu.core_type<tc>, window_params = [{pipeline_mode = #tpu.pipeline_mode<synchronous>, transform_indices = @transform_0, window_bounds = array<i64: 16, 768>}, {transform_indices = @transform_1, window_bounds = array<i64: 2000, 768>}, {transform_indices = @transform_2, window_bounds = array<i64: 1, 16, 2000>}, {transform_indices = @transform_3, window_bounds = array<i64: 1, 16, 128>}]} {
    %get3A = arith.constant 0 : index
    %get3A_0 = arith.constant 0 : index
    %get3A_1 = vector.load %arg2[%get3A, %get3A_0] : memref<2000x768xf32, #tpu.memory_space<vmem>>, vector<2000x768xf32>
    %mul3A = arith.mulf %get3A_1, %get3A_1 : vector<2000x768xf32>
    %reduce_sum3A = arith.constant dense<0.000000e+00> : vector<2000xf32>
    %reduce_sum3A_2 = vector.multi_reduction <add>, %mul3A, %reduce_sum3A [1] : vector<2000x768xf32> to vector<2000xf32>
    %broadcast_in_dim3A = vector.shape_cast %reduce_sum3A_2 : vector<2000xf32> to vector<2000x1xf32>
    %sqrt3A = math.sqrt %broadcast_in_dim3A : vector<2000x1xf32>
    %max3A = arith.constant 9.99999996E-13 : f32
    %max3A_3 = vector.broadcast %max3A : f32 to vector<2000x1xf32>
    %max3A_4 = arith.maximumf %sqrt3A, %max3A_3 : vector<2000x1xf32>
    %div3A = vector.broadcast %max3A_4 : vector<2000x1xf32> to vector<2000x768xf32>
    %div3A_5 = arith.divf %get3A_1, %div3A : vector<2000x768xf32>
    %get3A_6 = arith.constant 0 : index
    %get3A_7 = arith.constant 0 : index
    %get3A_8 = vector.load %arg1[%get3A_6, %get3A_7] : memref<16x768xf32, #tpu.memory_space<vmem>>, vector<16x768xf32>
    %convert_element_type3A = arith.truncf %get3A_8 : vector<16x768xf32> to vector<16x768xbf16>
    %convert_element_type3A_9 = arith.truncf %div3A_5 : vector<2000x768xf32> to vector<2000x768xbf16>
    %dot_general3A = arith.constant dense<0.000000e+00> : vector<16x2000xf32>
    %dot_general3A_10 = tpu.matmul %convert_element_type3A, %convert_element_type3A_9, %dot_general3A {dimension_numbers = #tpu.dot_dimension_numbers<[1], [1], [0], [0], [0, 0, 1, 0], [], []>, transpose_lhs_hint = false} : vector<16x768xbf16>, vector<2000x768xbf16>, vector<16x2000xf32> -> vector<16x2000xf32>
    %swap3A = arith.constant 0 : index
    %swap3A_11 = arith.constant 0 : index
    %swap3A_12 = arith.constant 0 : index
    %swap3A_13 = vector.load %arg3[%swap3A, %swap3A_11, %swap3A_12] : memref<1x16x2000xf32, #tpu.memory_space<vmem>>, vector<1x16x2000xf32>
    %swap3A_14 = vector.shape_cast %swap3A_13 : vector<1x16x2000xf32> to vector<16x2000xf32>
    %swap3A_15 = vector.shape_cast %dot_general3A_10 : vector<16x2000xf32> to vector<1x16x2000xf32>
    tpu.vector_store %arg3[%swap3A, %swap3A_11, %swap3A_12], %swap3A_15 {strides = array<i32>} : memref<1x16x2000xf32, #tpu.memory_space<vmem>>, vector<1x16x2000xf32>,
    %slice3A = vector.extract_strided_slice %dot_general3A_10 {offsets = [0, 0], sizes = [16, 128], strides = [1, 1]} : vector<16x2000xf32> to vector<16x128xf32>
    %slice3A_16 = vector.extract_strided_slice %dot_general3A_10 {offsets = [0, 128], sizes = [16, 128], strides = [1, 1]} : vector<16x2000xf32> to vector<16x128xf32>
    %max3A_17 = arith.maximumf %slice3A, %slice3A_16 : vector<16x128xf32>
    %slice3A_18 = vector.extract_strided_slice %dot_general3A_10 {offsets = [0, 256], sizes = [16, 128], strides = [1, 1]} : vector<16x2000xf32> to vector<16x128xf32>
    %max3A_19 = arith.maximumf %max3A_17, %slice3A_18 : vector<16x128xf32>
    %slice3A_20 = vector.extract_strided_slice %dot_general3A_10 {offsets = [0, 384], sizes = [16, 128], strides = [1, 1]} : vector<16x2000xf32> to vector<16x128xf32>
    %max3A_21 = arith.maximumf %max3A_19, %slice3A_20 : vector<16x128xf32>
    %slice3A_22 = vector.extract_strided_slice %dot_general3A_10 {offsets = [0, 512], sizes = [16, 128], strides = [1, 1]} : vector<16x2000xf32> to vector<16x128xf32>
    %max3A_23 = arith.maximumf %max3A_21, %slice3A_22 : vector<16x128xf32>
    %slice3A_24 = vector.extract_strided_slice %dot_general3A_10 {offsets = [0, 640], sizes = [16, 128], strides = [1, 1]} : vector<16x2000xf32> to vector<16x128xf32>
    %max3A_25 = arith.maximumf %max3A_23, %slice3A_24 : vector<16x128xf32>
    %slice3A_26 = vector.extract_strided_slice %dot_general3A_10 {offsets = [0, 768], sizes = [16, 128], strides = [1, 1]} : vector<16x2000xf32> to vector<16x128xf32>
    %max3A_27 = arith.maximumf %max3A_25, %slice3A_26 : vector<16x128xf32>
    %slice3A_28 = vector.extract_strided_slice %dot_general3A_10 {offsets = [0, 896], sizes = [16, 128], strides = [1, 1]} : vector<16x2000xf32> to vector<16x128xf32>
    %max3A_29 = arith.maximumf %max3A_27, %slice3A_28 : vector<16x128xf32>
    %slice3A_30 = vector.extract_strided_slice %dot_general3A_10 {offsets = [0, 1024], sizes = [16, 128], strides = [1, 1]} : vector<16x2000xf32> to vector<16x128xf32>
    %max3A_31 = arith.maximumf %max3A_29, %slice3A_30 : vector<16x128xf32>
    %slice3A_32 = vector.extract_strided_slice %dot_general3A_10 {offsets = [0, 1152], sizes = [16, 128], strides = [1, 1]} : vector<16x2000xf32> to vector<16x128xf32>
    %max3A_33 = arith.maximumf %max3A_31, %slice3A_32 : vector<16x128xf32>
    %slice3A_34 = vector.extract_strided_slice %dot_general3A_10 {offsets = [0, 1280], sizes = [16, 128], strides = [1, 1]} : vector<16x2000xf32> to vector<16x128xf32>
    %max3A_35 = arith.maximumf %max3A_33, %slice3A_34 : vector<16x128xf32>
    %slice3A_36 = vector.extract_strided_slice %dot_general3A_10 {offsets = [0, 1408], sizes = [16, 128], strides = [1, 1]} : vector<16x2000xf32> to vector<16x128xf32>
    %max3A_37 = arith.maximumf %max3A_35, %slice3A_36 : vector<16x128xf32>
    %slice3A_38 = vector.extract_strided_slice %dot_general3A_10 {offsets = [0, 1536], sizes = [16, 128], strides = [1, 1]} : vector<16x2000xf32> to vector<16x128xf32>
    %max3A_39 = arith.maximumf %max3A_37, %slice3A_38 : vector<16x128xf32>
    %slice3A_40 = vector.extract_strided_slice %dot_general3A_10 {offsets = [0, 1664], sizes = [16, 128], strides = [1, 1]} : vector<16x2000xf32> to vector<16x128xf32>
    %max3A_41 = arith.maximumf %max3A_39, %slice3A_40 : vector<16x128xf32>
    %slice3A_42 = vector.extract_strided_slice %dot_general3A_10 {offsets = [0, 1792], sizes = [16, 128], strides = [1, 1]} : vector<16x2000xf32> to vector<16x128xf32>
    %max3A_43 = arith.maximumf %max3A_41, %slice3A_42 : vector<16x128xf32>
    %broadcast_in_dim3A_44 = arith.constant -1.000000e+30 : f32
    %broadcast_in_dim3A_45 = vector.broadcast %broadcast_in_dim3A_44 : f32 to vector<16x48xf32>
    %slice3A_46 = vector.extract_strided_slice %dot_general3A_10 {offsets = [0, 1920], sizes = [16, 80], strides = [1, 1]} : vector<16x2000xf32> to vector<16x80xf32>
    %concatenate3A = tpu.concatenate %slice3A_46, %broadcast_in_dim3A_45 in 1 : vector<16x80xf32>, vector<16x48xf32> -> vector<16x128xf32>
    %max3A_47 = arith.maximumf %max3A_43, %concatenate3A : vector<16x128xf32>
    %swap3A_48 = arith.constant 0 : index
    %swap3A_49 = arith.constant 0 : index
    %swap3A_50 = arith.constant 0 : index
    %swap3A_51 = vector.load %arg4[%swap3A_48, %swap3A_49, %swap3A_50] : memref<1x16x128xf32, #tpu.memory_space<vmem>>, vector<1x16x128xf32>
    %swap3A_52 = vector.shape_cast %swap3A_51 : vector<1x16x128xf32> to vector<16x128xf32>
    %swap3A_53 = vector.shape_cast %max3A_47 : vector<16x128xf32> to vector<1x16x128xf32>
    tpu.vector_store %arg4[%swap3A_48, %swap3A_49, %swap3A_50], %swap3A_53 {strides = array<i32>} : memref<1x16x128xf32, #tpu.memory_space<vmem>>, vector<1x16x128xf32>,
    return
  }
  func.func @transform_0(%arg0: i32) -> (i32, i32) {
    %c0_i32 = arith.constant 0 : i32
    %c0_i32_0 = arith.constant 0 : i32
    %c0_i32_1 = arith.constant 0 : i32
    return %c0_i32, %c0_i32_0 : i32, i32
  }
  func.func @transform_1(%arg0: i32) -> (i32, i32) {
    %c0_i32 = arith.constant 0 : i32
    %c0_i32_0 = arith.constant 0 : i32
    return %arg0, %c0_i32 : i32, i32
  }
  func.func @transform_2(%arg0: i32) -> (i32, i32, i32) {
    %c0_i32 = arith.constant 0 : i32
    %c0_i32_0 = arith.constant 0 : i32
    %c0_i32_1 = arith.constant 0 : i32
    return %arg0, %c0_i32, %c0_i32_0 : i32, i32, i32
  }
  func.func @transform_3(%arg0: i32) -> (i32, i32, i32) {
    %c0_i32 = arith.constant 0 : i32
    %c0_i32_0 = arith.constant 0 : i32
    %c0_i32_1 = arith.constant 0 : i32
    return %arg0, %c0_i32, %c0_i32_0 : i32, i32, i32
  }
}

module attributes {stable_mosaic.version = 14 : i64} {
  func.func @_stage3_body(%arg0: memref<16x80x768xf32, #tpu.memory_space<vmem>>, %arg1: memref<16x80xf32, #tpu.memory_space<vmem>>, %arg2: memref<16x80xi32, #tpu.memory_space<vmem>>, %arg3: memref<16x26x768xf32, #tpu.memory_space<vmem>>, %arg4: memref<16x768xf32, #tpu.memory_space<vmem>>, %arg5: memref<16x768xf32, #tpu.memory_space<vmem>>, %arg6: memref<16x768xf32, #tpu.memory_space<vmem>>) attributes {dimension_semantics = [], scalar_prefetch = 0 : i64, scratch_operands = 0 : i64, tpu.core_type = #tpu.core_type<tc>} {
    %scan3A = arith.constant 0 : i32
    %scan3A_0 = arith.constant 16 : i32
    %scan3A_1 = arith.addi %scan3A, %scan3A_0 : i32
    %scan3A_2 = arith.constant 1 : i32
    scf.for %scan3A_4 = %scan3A to %scan3A_1 step %scan3A_2  : i32 {
      %get3A = arith.index_cast %scan3A_4 : i32 to index
      %get3A_5 = arith.constant 0 : index
      %get3A_6 = arith.constant 0 : index
      %get3A_7 = vector.load %arg0[%get3A, %get3A_5, %get3A_6] : memref<16x80x768xf32, #tpu.memory_space<vmem>>, vector<1x80x768xf32>
      %get3A_8 = vector.shape_cast %get3A_7 : vector<1x80x768xf32> to vector<80x768xf32>
      %mul3A = arith.mulf %get3A_8, %get3A_8 : vector<80x768xf32>
      %reduce_sum3A = arith.constant dense<0.000000e+00> : vector<80xf32>
      %reduce_sum3A_9 = vector.multi_reduction <add>, %mul3A, %reduce_sum3A [1] : vector<80x768xf32> to vector<80xf32>
      %broadcast_in_dim3A = vector.shape_cast %reduce_sum3A_9 : vector<80xf32> to vector<80x1xf32>
      %sqrt3A = math.sqrt %broadcast_in_dim3A : vector<80x1xf32>
      %max3A = arith.constant 9.99999996E-13 : f32
      %max3A_10 = vector.broadcast %max3A : f32 to vector<80x1xf32>
      %max3A_11 = arith.maximumf %sqrt3A, %max3A_10 : vector<80x1xf32>
      %div3A = vector.broadcast %max3A_11 : vector<80x1xf32> to vector<80x768xf32>
      %div3A_12 = arith.divf %get3A_8, %div3A : vector<80x768xf32>
      %get3A_13 = arith.index_cast %scan3A_4 : i32 to index
      %get3A_14 = arith.constant 0 : index
      %get3A_15 = arith.constant 0 : index
      %get3A_16 = vector.load %arg3[%get3A_13, %get3A_14, %get3A_15] : memref<16x26x768xf32, #tpu.memory_space<vmem>>, vector<1x26x768xf32>
      %get3A_17 = vector.shape_cast %get3A_16 : vector<1x26x768xf32> to vector<26x768xf32>
      %mul3A_18 = arith.mulf %div3A_12, %div3A_12 : vector<80x768xf32>
      %reduce_sum3A_19 = arith.constant dense<0.000000e+00> : vector<80xf32>
      %reduce_sum3A_20 = vector.multi_reduction <add>, %mul3A_18, %reduce_sum3A_19 [1] : vector<80x768xf32> to vector<80xf32>
      %sqrt3A_21 = math.sqrt %reduce_sum3A_20 : vector<80xf32>
      %max3A_22 = arith.constant 9.99999993E-9 : f32
      %max3A_23 = vector.broadcast %max3A_22 : f32 to vector<80xf32>
      %max3A_24 = arith.maximumf %sqrt3A_21, %max3A_23 : vector<80xf32>
      %mul3A_25 = arith.mulf %get3A_17, %get3A_17 : vector<26x768xf32>
      %reduce_sum3A_26 = arith.constant dense<0.000000e+00> : vector<26xf32>
      %reduce_sum3A_27 = vector.multi_reduction <add>, %mul3A_25, %reduce_sum3A_26 [1] : vector<26x768xf32> to vector<26xf32>
      %sqrt3A_28 = math.sqrt %reduce_sum3A_27 : vector<26xf32>
      %max3A_29 = arith.constant 9.99999993E-9 : f32
      %max3A_30 = vector.broadcast %max3A_29 : f32 to vector<26xf32>
      %max3A_31 = arith.maximumf %sqrt3A_28, %max3A_30 : vector<26xf32>
      %dot_general3A = arith.constant dense<0.000000e+00> : vector<80x26xf32>
      %dot_general3A_32 = tpu.matmul %div3A_12, %get3A_17, %dot_general3A {dimension_numbers = #tpu.dot_dimension_numbers<[1], [1], [0], [0], [0, 0, 1, 0], [], []>, precision = #tpu.contract_precision<fp32>, transpose_lhs_hint = false} : vector<80x768xf32>, vector<26x768xf32>, vector<80x26xf32> -> vector<80x26xf32>
      %broadcast_in_dim3A_33 = vector.shape_cast %max3A_24 : vector<80xf32> to vector<80x1xf32>
      %broadcast_in_dim3A_34 = vector.shape_cast %max3A_31 : vector<26xf32> to vector<1x26xf32>
      %mul3A_35 = vector.broadcast %broadcast_in_dim3A_33 : vector<80x1xf32> to vector<80x26xf32>
      %mul3A_36 = vector.broadcast %broadcast_in_dim3A_34 : vector<1x26xf32> to vector<80x26xf32>
      %mul3A_37 = arith.mulf %mul3A_35, %mul3A_36 : vector<80x26xf32>
      %div3A_38 = arith.divf %dot_general3A_32, %mul3A_37 : vector<80x26xf32>
      %slice3A = vector.extract_strided_slice %div3A_38 {offsets = [0, 9], sizes = [80, 17], strides = [1, 1]} : vector<80x26xf32> to vector<80x17xf32>
      %reduce_max3A = arith.constant dense<0xFF800000> : vector<80xf32>
      %reduce_max3A_39 = vector.multi_reduction <maximumf>, %slice3A, %reduce_max3A [1] : vector<80x17xf32> to vector<80xf32>
      %slice3A_40 = vector.extract_strided_slice %div3A_38 {offsets = [0, 0], sizes = [80, 9], strides = [1, 1]} : vector<80x26xf32> to vector<80x9xf32>
      %broadcast_in_dim3A_41 = vector.shape_cast %reduce_max3A_39 : vector<80xf32> to vector<80x1xf32>
      %ge3A = vector.broadcast %broadcast_in_dim3A_41 : vector<80x1xf32> to vector<80x9xf32>
      %ge3A_42 = arith.cmpf oge, %slice3A_40, %ge3A : vector<80x9xf32>
      %convert_element_type3A = arith.extui %ge3A_42 : vector<80x9xi1> to vector<80x9xi32>
      %convert_element_type3A_43 = arith.sitofp %convert_element_type3A : vector<80x9xi32> to vector<80x9xf32>
      %reduce_sum3A_44 = arith.constant dense<0.000000e+00> : vector<80xf32>
      %reduce_sum3A_45 = vector.multi_reduction <add>, %convert_element_type3A_43, %reduce_sum3A_44 [1] : vector<80x9xf32> to vector<80xf32>
      %slice3A_46 = vector.extract_strided_slice %div3A_38 {offsets = [0, 9], sizes = [80, 9], strides = [1, 1]} : vector<80x26xf32> to vector<80x9xf32>
      %reduce_max3A_47 = arith.constant dense<0xFF800000> : vector<80xf32>
      %reduce_max3A_48 = vector.multi_reduction <maximumf>, %slice3A_46, %reduce_max3A_47 [1] : vector<80x9xf32> to vector<80xf32>
      %slice3A_49 = vector.extract_strided_slice %div3A_38 {offsets = [0, 18], sizes = [80, 7], strides = [1, 1]} : vector<80x26xf32> to vector<80x7xf32>
      %reduce_max3A_50 = arith.constant dense<0xFF800000> : vector<80xf32>
      %reduce_max3A_51 = vector.multi_reduction <maximumf>, %slice3A_49, %reduce_max3A_50 [1] : vector<80x7xf32> to vector<80xf32>
      %ge3A_52 = arith.cmpf oge, %reduce_max3A_48, %reduce_max3A_39 : vector<80xf32>
      %ge3A_53 = arith.cmpf oge, %reduce_max3A_51, %reduce_max3A_39 : vector<80xf32>
      %jit3A = arith.constant 1.000000e+00 : f32
      %jit3A_54 = arith.constant -1.000000e+01 : f32
      %broadcast_in_dim3A_55 = vector.broadcast %jit3A : f32 to vector<80xf32>
      %broadcast_in_dim3A_56 = vector.broadcast %jit3A_54 : f32 to vector<80xf32>
      %select_n3A = arith.select %ge3A_53, %broadcast_in_dim3A_55, %broadcast_in_dim3A_56 : vector<80xi1>, vector<80xf32>
      %jit3A_57 = arith.constant 0.000000e+00 : f32
      %broadcast_in_dim3A_58 = vector.broadcast %jit3A_57 : f32 to vector<80xf32>
      %select_n3A_59 = arith.select %ge3A_52, %broadcast_in_dim3A_58, %select_n3A : vector<80xi1>, vector<80xf32>
      %add3A = arith.addf %reduce_sum3A_45, %select_n3A_59 : vector<80xf32>
      %get3A_60 = arith.index_cast %scan3A_4 : i32 to index
      %get3A_61 = arith.constant 0 : index
      %get3A_62 = vector.load %arg1[%get3A_60, %get3A_61] : memref<16x80xf32, #tpu.memory_space<vmem>>, vector<1x80xf32>
      %get3A_63 = vector.shape_cast %get3A_62 : vector<1x80xf32> to vector<80xf32>
      %get3A_64 = arith.index_cast %scan3A_4 : i32 to index
      %get3A_65 = arith.constant 0 : index
      %get3A_66 = vector.load %arg2[%get3A_64, %get3A_65] : memref<16x80xi32, #tpu.memory_space<vmem>>, vector<1x80xi32>
      %get3A_67 = vector.shape_cast %get3A_66 : vector<1x80xi32> to vector<80xi32>
      %broadcast_in_dim3A_68 = vector.shape_cast %get3A_63 : vector<80xf32> to vector<1x80xf32>
      %broadcast_in_dim3A_69 = vector.shape_cast %get3A_63 : vector<80xf32> to vector<80x1xf32>
      %broadcast_in_dim3A_70 = vector.shape_cast %get3A_67 : vector<80xi32> to vector<1x80xi32>
      %broadcast_in_dim3A_71 = vector.shape_cast %get3A_67 : vector<80xi32> to vector<80x1xi32>
      %broadcast_in_dim3A_72 = vector.shape_cast %add3A : vector<80xf32> to vector<1x80xf32>
      %broadcast_in_dim3A_73 = vector.shape_cast %add3A : vector<80xf32> to vector<80x1xf32>
      %gt3A = vector.broadcast %broadcast_in_dim3A_68 : vector<1x80xf32> to vector<80x80xf32>
      %gt3A_74 = vector.broadcast %broadcast_in_dim3A_69 : vector<80x1xf32> to vector<80x80xf32>
      %gt3A_75 = arith.cmpf ogt, %gt3A, %gt3A_74 : vector<80x80xf32>
      %eq3A = vector.broadcast %broadcast_in_dim3A_68 : vector<1x80xf32> to vector<80x80xf32>
      %eq3A_76 = vector.broadcast %broadcast_in_dim3A_69 : vector<80x1xf32> to vector<80x80xf32>
      %eq3A_77 = arith.cmpf oeq, %eq3A, %eq3A_76 : vector<80x80xf32>
      %lt3A = vector.broadcast %broadcast_in_dim3A_70 : vector<1x80xi32> to vector<80x80xi32>
      %lt3A_78 = vector.broadcast %broadcast_in_dim3A_71 : vector<80x1xi32> to vector<80x80xi32>
      %lt3A_79 = arith.cmpi slt, %lt3A, %lt3A_78 : vector<80x80xi32>
      %and3A = arith.andi %eq3A_77, %lt3A_79 : vector<80x80xi1>
      %or3A = arith.ori %gt3A_75, %and3A : vector<80x80xi1>
      %broadcast_in_dim3A_80 = arith.constant 1.000000e+00 : f32
      %broadcast_in_dim3A_81 = vector.broadcast %broadcast_in_dim3A_80 : f32 to vector<80x80xf32>
      %broadcast_in_dim3A_82 = arith.constant 0.000000e+00 : f32
      %broadcast_in_dim3A_83 = vector.broadcast %broadcast_in_dim3A_82 : f32 to vector<80x80xf32>
      %gt3A_84 = vector.broadcast %broadcast_in_dim3A_72 : vector<1x80xf32> to vector<80x80xf32>
      %gt3A_85 = vector.broadcast %broadcast_in_dim3A_73 : vector<80x1xf32> to vector<80x80xf32>
      %gt3A_86 = arith.cmpf ogt, %gt3A_84, %gt3A_85 : vector<80x80xf32>
      %eq3A_87 = vector.broadcast %broadcast_in_dim3A_72 : vector<1x80xf32> to vector<80x80xf32>
      %eq3A_88 = vector.broadcast %broadcast_in_dim3A_73 : vector<80x1xf32> to vector<80x80xf32>
      %eq3A_89 = arith.cmpf oeq, %eq3A_87, %eq3A_88 : vector<80x80xf32>
      %and3A_90 = arith.andi %eq3A_89, %or3A : vector<80x80xi1>
      %or3A_91 = arith.ori %gt3A_86, %and3A_90 : vector<80x80xi1>
      %select_n3A_92 = arith.select %or3A_91, %broadcast_in_dim3A_81, %broadcast_in_dim3A_83 : vector<80x80xi1>, vector<80x80xf32>
      %reduce_sum3A_93 = arith.constant dense<0.000000e+00> : vector<80xf32>
      %reduce_sum3A_94 = vector.multi_reduction <add>, %select_n3A_92, %reduce_sum3A_93 [1] : vector<80x80xf32> to vector<80xf32>
      %lt3A_95 = vector.broadcast %broadcast_in_dim3A_72 : vector<1x80xf32> to vector<80x80xf32>
      %lt3A_96 = vector.broadcast %broadcast_in_dim3A_73 : vector<80x1xf32> to vector<80x80xf32>
      %lt3A_97 = arith.cmpf olt, %lt3A_95, %lt3A_96 : vector<80x80xf32>
      %eq3A_98 = vector.broadcast %broadcast_in_dim3A_72 : vector<1x80xf32> to vector<80x80xf32>
      %eq3A_99 = vector.broadcast %broadcast_in_dim3A_73 : vector<80x1xf32> to vector<80x80xf32>
      %eq3A_100 = arith.cmpf oeq, %eq3A_98, %eq3A_99 : vector<80x80xf32>
      %and3A_101 = arith.andi %eq3A_100, %or3A : vector<80x80xi1>
      %or3A_102 = arith.ori %lt3A_97, %and3A_101 : vector<80x80xi1>
      %select_n3A_103 = arith.select %or3A_102, %broadcast_in_dim3A_81, %broadcast_in_dim3A_83 : vector<80x80xi1>, vector<80x80xf32>
      %reduce_sum3A_104 = arith.constant dense<0.000000e+00> : vector<80xf32>
      %reduce_sum3A_105 = vector.multi_reduction <add>, %select_n3A_103, %reduce_sum3A_104 [1] : vector<80x80xf32> to vector<80xf32>
      %select_n3A_106 = arith.select %or3A, %broadcast_in_dim3A_81, %broadcast_in_dim3A_83 : vector<80x80xi1>, vector<80x80xf32>
      %reduce_sum3A_107 = arith.constant dense<0.000000e+00> : vector<80xf32>
      %reduce_sum3A_108 = vector.multi_reduction <add>, %select_n3A_106, %reduce_sum3A_107 [1] : vector<80x80xf32> to vector<80xf32>
      %lt3A_109 = arith.constant 4.000000e+01 : f32
      %lt3A_110 = vector.broadcast %lt3A_109 : f32 to vector<80xf32>
      %lt3A_111 = arith.cmpf olt, %reduce_sum3A_94, %lt3A_110 : vector<80xf32>
      %jit3A_112 = arith.constant 1.000000e+00 : f32
      %jit3A_113 = arith.constant 0.000000e+00 : f32
      %broadcast_in_dim3A_114 = vector.broadcast %jit3A_112 : f32 to vector<80xf32>
      %broadcast_in_dim3A_115 = vector.broadcast %jit3A_113 : f32 to vector<80xf32>
      %select_n3A_116 = arith.select %lt3A_111, %broadcast_in_dim3A_114, %broadcast_in_dim3A_115 : vector<80xi1>, vector<80xf32>
      %lt3A_117 = arith.constant 4.000000e+01 : f32
      %lt3A_118 = vector.broadcast %lt3A_117 : f32 to vector<80xf32>
      %lt3A_119 = arith.cmpf olt, %reduce_sum3A_105, %lt3A_118 : vector<80xf32>
      %jit3A_120 = arith.constant 1.000000e+00 : f32
      %jit3A_121 = arith.constant 0.000000e+00 : f32
      %broadcast_in_dim3A_122 = vector.broadcast %jit3A_120 : f32 to vector<80xf32>
      %broadcast_in_dim3A_123 = vector.broadcast %jit3A_121 : f32 to vector<80xf32>
      %select_n3A_124 = arith.select %lt3A_119, %broadcast_in_dim3A_122, %broadcast_in_dim3A_123 : vector<80xi1>, vector<80xf32>
      %lt3A_125 = arith.constant 1.000000e+00 : f32
      %lt3A_126 = vector.broadcast %lt3A_125 : f32 to vector<80xf32>
      %lt3A_127 = arith.cmpf olt, %reduce_sum3A_108, %lt3A_126 : vector<80xf32>
      %jit3A_128 = arith.constant 1.000000e+00 : f32
      %jit3A_129 = arith.constant 0.000000e+00 : f32
      %broadcast_in_dim3A_130 = vector.broadcast %jit3A_128 : f32 to vector<80xf32>
      %broadcast_in_dim3A_131 = vector.broadcast %jit3A_129 : f32 to vector<80xf32>
      %select_n3A_132 = arith.select %lt3A_127, %broadcast_in_dim3A_130, %broadcast_in_dim3A_131 : vector<80xi1>, vector<80xf32>
      %broadcast_in_dim3A_133 = vector.shape_cast %select_n3A_116 : vector<80xf32> to vector<80x1xf32>
      %mul3A_134 = vector.broadcast %broadcast_in_dim3A_133 : vector<80x1xf32> to vector<80x768xf32>
      %mul3A_135 = arith.mulf %mul3A_134, %div3A_12 : vector<80x768xf32>
      %reduce_sum3A_136 = arith.constant dense<0.000000e+00> : vector<768xf32>
      %reduce_sum3A_137 = vector.multi_reduction <add>, %mul3A_135, %reduce_sum3A_136 [0] : vector<80x768xf32> to vector<768xf32>
      %div3A_138 = arith.constant 4.000000e+01 : f32
      %div3A_139 = vector.broadcast %div3A_138 : f32 to vector<768xf32>
      %div3A_140 = arith.divf %reduce_sum3A_137, %div3A_139 : vector<768xf32>
      %broadcast_in_dim3A_141 = vector.shape_cast %select_n3A_124 : vector<80xf32> to vector<80x1xf32>
      %mul3A_142 = vector.broadcast %broadcast_in_dim3A_141 : vector<80x1xf32> to vector<80x768xf32>
      %mul3A_143 = arith.mulf %mul3A_142, %div3A_12 : vector<80x768xf32>
      %reduce_sum3A_144 = arith.constant dense<0.000000e+00> : vector<768xf32>
      %reduce_sum3A_145 = vector.multi_reduction <add>, %mul3A_143, %reduce_sum3A_144 [0] : vector<80x768xf32> to vector<768xf32>
      %div3A_146 = arith.constant 4.000000e+01 : f32
      %div3A_147 = vector.broadcast %div3A_146 : f32 to vector<768xf32>
      %div3A_148 = arith.divf %reduce_sum3A_145, %div3A_147 : vector<768xf32>
      %broadcast_in_dim3A_149 = vector.shape_cast %select_n3A_132 : vector<80xf32> to vector<80x1xf32>
      %mul3A_150 = vector.broadcast %broadcast_in_dim3A_149 : vector<80x1xf32> to vector<80x768xf32>
      %mul3A_151 = arith.mulf %mul3A_150, %div3A_12 : vector<80x768xf32>
      %reduce_sum3A_152 = arith.constant dense<0.000000e+00> : vector<768xf32>
      %reduce_sum3A_153 = vector.multi_reduction <add>, %mul3A_151, %reduce_sum3A_152 [0] : vector<80x768xf32> to vector<768xf32>
      %swap3A = arith.index_cast %scan3A_4 : i32 to index
      %swap3A_154 = arith.constant 0 : index
      %swap3A_155 = vector.load %arg4[%swap3A, %swap3A_154] : memref<16x768xf32, #tpu.memory_space<vmem>>, vector<1x768xf32>
      %swap3A_156 = vector.shape_cast %swap3A_155 : vector<1x768xf32> to vector<768xf32>
      %swap3A_157 = vector.shape_cast %reduce_sum3A_153 : vector<768xf32> to vector<1x768xf32>
      tpu.vector_store %arg4[%swap3A, %swap3A_154], %swap3A_157 {strides = array<i32>} : memref<16x768xf32, #tpu.memory_space<vmem>>, vector<1x768xf32>,
      %mul3A_158 = arith.mulf %div3A_140, %div3A_140 : vector<768xf32>
      %reduce_sum3A_159 = vector.shape_cast %mul3A_158 : vector<768xf32> to vector<1x768xf32>
      %reduce_sum3A_160 = arith.constant dense<0.000000e+00> : vector<1xf32>
      %reduce_sum3A_161 = vector.multi_reduction <add>, %reduce_sum3A_159, %reduce_sum3A_160 [1] : vector<1x768xf32> to vector<1xf32>
      %reduce_sum3A_162 = vector.shape_cast %reduce_sum3A_161 : vector<1xf32> to vector<1x1xf32>
      %reduce_sum3A_163 = vector.extract %reduce_sum3A_162[0, 0] : f32 from vector<1x1xf32>
      %sqrt3A_164 = math.sqrt %reduce_sum3A_163 : f32
      %max3A_165 = arith.constant 9.99999996E-13 : f32
      %max3A_166 = arith.maximumf %sqrt3A_164, %max3A_165 : f32
      %div3A_167 = vector.broadcast %max3A_166 : f32 to vector<768xf32>
      %div3A_168 = arith.divf %div3A_140, %div3A_167 : vector<768xf32>
      %swap3A_169 = arith.index_cast %scan3A_4 : i32 to index
      %swap3A_170 = arith.constant 0 : index
      %swap3A_171 = vector.load %arg5[%swap3A_169, %swap3A_170] : memref<16x768xf32, #tpu.memory_space<vmem>>, vector<1x768xf32>
      %swap3A_172 = vector.shape_cast %swap3A_171 : vector<1x768xf32> to vector<768xf32>
      %swap3A_173 = vector.shape_cast %div3A_168 : vector<768xf32> to vector<1x768xf32>
      tpu.vector_store %arg5[%swap3A_169, %swap3A_170], %swap3A_173 {strides = array<i32>} : memref<16x768xf32, #tpu.memory_space<vmem>>, vector<1x768xf32>,
      %mul3A_174 = arith.mulf %div3A_148, %div3A_148 : vector<768xf32>
      %reduce_sum3A_175 = vector.shape_cast %mul3A_174 : vector<768xf32> to vector<1x768xf32>
      %reduce_sum3A_176 = arith.constant dense<0.000000e+00> : vector<1xf32>
      %reduce_sum3A_177 = vector.multi_reduction <add>, %reduce_sum3A_175, %reduce_sum3A_176 [1] : vector<1x768xf32> to vector<1xf32>
      %reduce_sum3A_178 = vector.shape_cast %reduce_sum3A_177 : vector<1xf32> to vector<1x1xf32>
      %reduce_sum3A_179 = vector.extract %reduce_sum3A_178[0, 0] : f32 from vector<1x1xf32>
      %sqrt3A_180 = math.sqrt %reduce_sum3A_179 : f32
      %max3A_181 = arith.constant 9.99999996E-13 : f32
      %max3A_182 = arith.maximumf %sqrt3A_180, %max3A_181 : f32
      %div3A_183 = vector.broadcast %max3A_182 : f32 to vector<768xf32>
      %div3A_184 = arith.divf %div3A_148, %div3A_183 : vector<768xf32>
      %swap3A_185 = arith.index_cast %scan3A_4 : i32 to index
      %swap3A_186 = arith.constant 0 : index
      %swap3A_187 = vector.load %arg6[%swap3A_185, %swap3A_186] : memref<16x768xf32, #tpu.memory_space<vmem>>, vector<1x768xf32>
      %swap3A_188 = vector.shape_cast %swap3A_187 : vector<1x768xf32> to vector<768xf32>
      %swap3A_189 = vector.shape_cast %div3A_184 : vector<768xf32> to vector<1x768xf32>
      tpu.vector_store %arg6[%swap3A_185, %swap3A_186], %swap3A_189 {strides = array<i32>} : memref<16x768xf32, #tpu.memory_space<vmem>>, vector<1x768xf32>,
    }
    %scan3A_3 = arith.constant 16 : i32
    return
  }
}

</mosaic_0001>

<sc_bundles>
// kernel: gather_offload_async_start.1
scs
__scs_entry_jumppad:
0x0: {  	(pc) =	sbr.rel $0x88, $3  }
0x1: {  	(tag) =	ssettag $0x0;
	lr =	simm.s32 $0x1  }
0x2: {  	[smem:$0x3F94] =	sst lr;
	_ =	strace $0xD0000000  }
0x3: {  	_ = 	snop  }
0x4: {  	_ = 	snop  }
0x5: {  	_ = 	snop  }
0x6: {  	_ = 	snop  }
0x7: {  	_ = 	snop  }
__scs_overlays_trampoline_lowered:
0x8: {  	[smem:$0x3FA3] =	sst s0  }
0x9: {  	[smem:$0x3FA4] =	sst s1  }
0xa: {  	[smem:$0x3FA5] =	sst s2  }
0xb: {  	[smem:$0x3FA6] =	sst s3  }
0xc: {  	[smem:$0x3FA7] =	sst s4  }
0xd: {  	[smem:$0x3FA8] =	sst s5  }
0xe: {  	[smem:$0x3FA9] =	sst s6  }
0xf: {  	[smem:$0x3FAA] =	sst s7  }
0x10: {  	[smem:$0x3FAB] =	sst s8  }
0x11: {  	[smem:$0x3FAC] =	sst s9;
	s0 =	simm.s32 @!p0 $0x0  }
0x12: {  	s1 =	sld [smem:$0x3F92];
	s0 =	simm.s32 @p0 $0x1  }
0x13: {  	[smem:$0x3FAD] =	sst s0;
	s0 =	simm.s32 @!p1 $0x0  }
0x14: {  	s2 =	sld [smem:$0x3F91];
	s0 =	simm.s32 @p1 $0x1  }
0x15: {  	[smem:$0x3FAE] =	sst s0;
	s0 =	simm.s32 @!p2 $0x0  }
0x16: {  	s3 =	sld [smem:$0x3FDB];
	s0 =	simm.s32 @p2 $0x1  }
0x17: {  	s4 =	simm.s32 $0x1BF5;
	[smem:$0x3FB0] =	sst s0  }
0x18: {  	s0 =	sld [smem:$0x3F93];
	_ =	swait.ge [sflag:s4], $0x0  }
0x19: {  	s7 =	sld [smem:$0x3F94]  }
0x1a: {  	s8 =	sadd.s32 $0xFFFFE003, lr  }
0x1b: {  	s9 =	sadd.s32 $0xFFFFFEF7, lr;
	s5 =	simm.s32 $0xFFFFFFFF;
	p2 =	slt.u32 s8, $0xFFFFF086  }
0x1c: {  	p1 =	slt.u32 s9, $0xF7A;
	s5 =	simm.s32 @!p2 $0x0  }
0x1d: {  	s5 =	simm.s32 @p1 $0x1;
	p0 =	seq.s32 s7, s2  }
0x1e: {  	s7 =	smul.u32 @!p0 $0xF7A, s2;
	p2 =	seq.s32 @!p0 s5, $0x0  }
0x1f: {  	s9 =	smul.u32 $0xF7A, s1;
	s8 =	simm.s32 @!p0 $0x1BF5;
	p2 =	por !p2, p0  }
0x20: {  	[sflag:s8] =	ssyncset.s32 @!p0 $0xFFFFF086;
	s6 =	sadd.s32 @!p0 s3, s7;
	s7 =	simm.s32 @!p0 $0x108  }
0x21: {  	s3 =	sadd.s32 s3, s9;
	s6 =	sadd.s32 @!p0 $0x88, s6;
	s7 =	simm.s32 @p2 $0x1082  }
0x22: {  	[simem:s7], [sflag:s8] =	dma.local @!p0 [hbm:s6], $0xF7A  }
0x23: {  	s9 =	sor.u32 $0xD0000000, s2;
	s6 =	simm.s32 $0x108;
	_ =	swait.ge @!p0 [sflag:s8], $0x0  }
0x24: {  	s3 =	sadd.s32 $0x88, s3;
	s6 =	simm.s32 @!p1 $0x1082;
	[sflag:s4] =	ssyncset.s32 $0xFFFFF086  }
0x25: {  	[simem:s6], [sflag:s4] =	dma.local [hbm:s3], $0xF7A  }
0x26: {  	[smem:$0x3F94] =	sst s1;
	(tag) =	ssettag s2;
	_ =	strace s9  }
0x27: {  	s1 =	sld [smem:$0x3FA4]  }
0x28: {  	s2 =	sld [smem:$0x3FA5]  }
0x29: {  	s4 =	sld [smem:$0x3FA7]  }
0x2a: {  	p0 =	seq.s32 s5, $0x0;
	s5 =	sld [smem:$0x3FA8]  }
0x2b: {  	s6 =	sld [smem:$0x3FA9]  }
0x2c: {  	s7 =	sld [smem:$0x3FAA]  }
0x2d: {  	s3 =	simm.s32 $0x108;
	s8 =	sld [smem:$0x3FAB]  }
0x2e: {  	s3 =	simm.s32 @!p0 $0x1082;
	s9 =	sld [smem:$0x3FAC]  }
0x2f: {  	lr =	sadd.s32 s0, s3;
	s0 =	sld [smem:$0x3FA3]  }
0x30: {  	s3 =	sld [smem:$0x3FA6]  }
0x31: {  	[smem:$0x3FAF] =	sst s10  }
0x32: {  	s10 =	sld [smem:$0x3FAD];
	_ =	sdelay $0x3  }
0x33: {  	p0 =	seq.s32 s10, $0x1;
	s10 =	sld [smem:$0x3FAF];
	_ =	sdelay $0x3  }
0x34: {  	[smem:$0x3FAF] =	sst s10  }
0x35: {  	s10 =	sld [smem:$0x3FAE];
	_ =	sdelay $0x3  }
0x36: {  	p1 =	seq.s32 s10, $0x1;
	s10 =	sld [smem:$0x3FAF];
	_ =	sdelay $0x3  }
0x37: {  	[smem:$0x3FAF] =	sst s10  }
0x38: {  	s10 =	sld [smem:$0x3FB0]  }
0x39: {  	_ = 	snop;
	(pc) =	sbr.ind lr, $3  }
0x3a: {  	_ = 	snop  }
0x3b: {  	_ = 	snop  }
0x3c: {  	p2 =	seq.s32 s10, $0x1;
	s10 =	sld [smem:$0x3FAF]  }
0x3d: {  	_ =	shalt  }
0x3e: {  	_ =	shalt  }
0x3f: {  	_ =	shalt  }
0x40: {  	_ =	shalt  }
0x41: {  	_ =	shalt  }
0x42: {  	_ =	shalt  }
0x43: {  	_ =	shalt  }
0x44: {  	_ =	shalt  }
0x45: {  	_ =	shalt  }
0x46: {  	_ =	shalt  }
0x47: {  	_ =	shalt  }
0x48: {  	_ =	shalt  }
0x49: {  	_ =	shalt  }
0x4a: {  	_ =	shalt  }
0x4b: {  	_ =	shalt  }
0x4c: {  	_ =	shalt  }
0x4d: {  	_ =	shalt  }
0x4e: {  	_ =	shalt  }
0x4f: {  	_ =	shalt  }
0x50: {  	_ =	shalt  }
0x51: {  	_ =	shalt  }
0x52: {  	_ =	shalt  }
0x53: {  	_ =	shalt  }
0x54: {  	_ =	shalt  }
0x55: {  	_ =	shalt  }
0x56: {  	_ =	shalt  }
0x57: {  	_ =	shalt  }
0x58: {  	_ =	shalt  }
0x59: {  	_ =	shalt  }
0x5a: {  	_ =	shalt  }
0x5b: {  	_ =	shalt  }
0x5c: {  	_ =	shalt  }
0x5d: {  	_ =	shalt  }
0x5e: {  	_ =	shalt  }
0x5f: {  	_ =	shalt  }
0x60: {  	_ =	shalt  }
0x61: {  	_ =	shalt  }
0x62: {  	_ =	shalt  }
0x63: {  	_ =	shalt  }
0x64: {  	_ =	shalt  }
0x65: {  	_ =	shalt  }
0x66: {  	_ =	shalt  }
0x67: {  	_ =	shalt  }
0x68: {  	_ =	shalt  }
0x69: {  	_ =	shalt  }
0x6a: {  	_ =	shalt  }
0x6b: {  	_ =	shalt  }
0x6c: {  	_ =	shalt  }
0x6d: {  	_ =	shalt  }
0x6e: {  	_ =	shalt  }
0x6f: {  	_ =	shalt  }
0x70: {  	_ =	shalt  }
0x71: {  	_ =	shalt  }
0x72: {  	_ =	shalt  }
0x73: {  	_ =	shalt  }
0x74: {  	_ =	shalt  }
0x75: {  	_ =	shalt  }
0x76: {  	_ =	shalt  }
0x77: {  	_ =	shalt  }
0x78: {  	_ =	shalt  }
0x79: {  	_ =	shalt  }
0x7a: {  	_ =	shalt  }
0x7b: {  	_ =	shalt  }
0x7c: {  	_ =	shalt  }
0x7d: {  	_ =	shalt  }
0x7e: {  	_ =	shalt  }
0x7f: {  	_ =	shalt  }
0x80: {  	_ =	shalt  }
0x81: {  	_ =	shalt  }
0x82: {  	_ =	shalt  }
0x83: {  	_ =	shalt  }
0x84: {  	_ =	shalt  }
0x85: {  	_ =	shalt  }
0x86: {  	_ =	shalt  }
0x87: {  	_ =	shalt  }
.Lfunc_end0:
.L_simem_size_0:
called_computation.1_lowered:
.L_overlay_start_0:
0x88: {  	s2 =	sld [smem:$0x3FD9]  }
0x89: {  	s3 =	sld [smem:$0x3FFE];
	_ =	sdelay $0x1  }
0x8a: {  	s1 =	srdreg.scid  }
0x8b: {  	s0 =	sand.u32 $0x1, s1  }
0x8c: {  	s16 =	sshll.u32 s0, $0xA;
	s2 =	sadd.s32 s3, s2  }
0x8d: {  	s2 =	sadd.s32 s2, s16  }
0x8e: {  	[smem:$0x3FBB] =	sst s2  }
0x8f: {  	_ = 	snop  }
0x90: {  	(tm) =	ssettm $0x1  }
0x91: {  	s17 =	sld [smem:$0x3FFB];
	_ =	sdelay $0x3  }
0x92: {  	_ =	strace s17  }
0x93: {  	s2 =	sld [smem:$0x3FFC];
	_ =	sdelay $0x3  }
0x94: {  	_ =	strace s2  }
0x95: {  	s2 =	sld [smem:$0x3FFD];
	_ =	sdelay $0x3  }
0x96: {  	_ =	strace s2  }
0x97: {  	_ =	strace $0x8FFFFFFF  }
0x98: {  	s18 =	sld [smem:$0x3FDB];
	_ =	sdelay $0x1  }
0x99: {  	s19 =	simm.s32 $_scs_section_size  }
0x9a: {  	s4 =	simm.s32 $_size__tile_overlayer_lowered;
	s5 =	simm.s32 $_tile_overlayer_lowered  }
0x9b: {  	s22 =	simm.s32 $0x1BFF;
	s21 =	sshll.u32 s5, $0x1;
	s2 =	sadd.s32 s19, s18  }
0x9c: {  	s6 =	simm.s32 $0x0;
	s20 =	sshll.u32 s4, $0x1;
	s4 =	sadd.s32 s21, s2  }
0x9d: {  	[timem:s6], [sflag:s22] =	dma.local [hbm:s4], s20  }
0x9e: {  	_ =	swait.ge [sflag:s22], s20  }
0x9f: {  	s3 =	ssub.s32 $0x0, s20;
	[sflag:s22] =	ssyncset.done $0x0  }
0xa0: {  	[sflag:s22] =	ssyncadd.s32 s3;
	_ =	sdelay $0x1  }
0xa1: {  	s23 =	simm.s32 $0x1B8B  }
0xa2: {  	_ =	swait.ge [sflag:s23], $0x1  }
0xa3: {  	[sflag:s23] =	ssyncset.done $0x0  }
0xa4: {  	s25 =	simm.s32 $0x1B8E;
	s24 =	sld [smem:$0x3FFE];
	[sflag:s23] =	ssyncadd.s32 $0xFFFFFFFF  }
0xa5: {  	s26 =	simm.s32 $execute0_lowered;
	[smem:$0x3FD2] =	sst s25  }
0xa6: {  	s4 =	sshll.u32 s26, $0x1;
	_ =	strace $0x80000046;
	[dreg:$0x1] =	wrdreg $0xFFFFFFFF  }
0xa7: {  	s28 =	simm.s32 $_size_execute0_lowered;
	s2 =	sadd.s32 s2, s4;
	[dreg:$0x0] =	wrdreg $0x0  }
0xa8: {  	s4 =	sshll.u32 s28, $0x1;
	[dreg:$0x2] =	wrdreg s2  }
0xa9: {  	[dreg:$0x3] =	wrdreg s4  }
0xaa: {  	[dreg:$0x4] =	wrdreg $0xC0  }
0xab: {  	_ =	task [dreg:s6], $0x5FFFF  }
0xac: {  	[dreg:$0x1] =	wrdreg $0xFFFFFFFF  }
0xad: {  	[dreg:$0x0] =	wrdreg $0x60  }
0xae: {  	[dreg:$0x2] =	wrdreg s24  }
0xaf: {  	[dreg:$0x3] =	wrdreg $0x9  }
0xb0: {  	_ =	task.clear_ibuf [dreg:s6], $0x4FFFF;
	_ =	strace $0x90000046  }
0xb1: {  	s29 =	simm.s32 $0x9;
	_ =	strace $0x80000048  }
0xb2: {  	_ =	swait.ge [sflag:s29], $0x1  }
0xb3: {  	[sflag:s29] =	ssyncadd.s32 $0xFFFFFFFF  }
0xb4: {  	_ =	strace $0x90000048  }
0xb5: {  	_ =	sfence  }
0xb6: {  	s30 =	sld [smem:$0x0];
	_ =	sdelay $0x2  }
0xb7: {  	s31 =	sshll.u32 s1, $0xD;
	s1 =	sshrl.u32 s1, $0x2  }
0xb8: {  	s3 =	sand.u32 $0x4000, s31;
	s1 =	sadd.s32 s1, s30  }
0xb9: {  	s0 =	sor.u32 s3, s0;
	s1 =	sshll.u32 s1, $0x11  }
0xba: {  	s0 =	sor.u32 s1, s0  }
0xbb: {  	s0 =	sadd.s32 $0x8F2B, s0  }
0xbc: {  	[sflag:s0] =	ssyncadd.remote.s32 $0x1  }
0xbd: {  	_ =	sfence.sel $0xFFFF  }
0xbe: {  	[dreg:$0x0] =	wrdreg $0xFFFFFFFF;
	(pc) =	sbr.abs _section_cstart, $3  }
0xbf: {  	[dreg:$0x1] =	wrdreg $0xFFFFFFFF  }
0xc0: {  	_ =	task.clear_ibuf [dreg:s6], $0x2FFFF;
	_ =	strace $0x9FFFFFFF  }
0xc1: {  	(tm) =	ssettm $0x7FFFFFFF  }
tec
execute0_lowered:
.L_overlay_start_1:
0x0: {  	(tag) =	ssettag $0x1  }
0x1: {  	s1 =	srdreg.scid  }
0x2: {  	s0 =	stileid.u32;
	s2 =	rddreg [dreg:$0x0];
	s6 =	simm.s32 $0x1  }
0x3: {  	s9 =	simm.s32 $0x1;
	s10 =	simm.s32 $0x3;
	s1 =	sshll.u32 s1, $0x9  }
0x4: {  	s13 =	simm.s32 $0x0;
	s3 =	sshll.u32 s0, $0xA;
	s4 =	sand.u32 $0x200, s1  }
0x5: {  	s12 =	simm.s32 $0x0;
	s5 =	sadd.s32 $0x31800, s2;
	s3 =	sor.u32 s3, s4  }
0x6: {  	s1 =	rddreg [dreg:$0x1];
	_ =	strace $0x80000047;
	s8 =	ssub.s32 $0x5000, s3  }
.Ltmp0:
0x7: {  	s4 =	sadd.s32 $0x30E00, s2;
	s7 =	sand.u32 $0x3E00, s8;
	(pc) =	sbr.rel .LBB2_1-.Ltmp0, $4  }
0x8: {  	[sflag:s6] =	ssyncpa.u1 $0x0;
	s11 =	smov.u32 s3;
	p0 =	sne.s32 s7, $0x0  }
0x9: {  	s8 =	sshrl.u32 s8, $0xE;
	s7 =	simm.s32 $0x2;
	s9 =	simm.s32 @!p0 $0x0  }
0xa: {  	[sflag:s7] =	ssyncpa.u1 $0x0;
	p0 =	por $0x0, $0x0;
	s8 =	sadd.s32 s9, s8  }
0xb: {  	vm0 =	vmmov $0xffff;
	[sflag:s10] =	ssyncpa.u1 $0x0;
	s10 =	simm.s32 $0x0;
	s9 =	sadd.s32 $0x1, s8  }
.LBB2_4:
0xc: {  	vm1 =	veq.s32 v4, $0x80000000;
	v56 =	vand.u32 $0xF, v4;
	v6 =	vand.u32 $0x1FFFF, v6  }
0xd: {  	v2 =	vor.u32 v2, v5;
	v59 =	vshrl.u32 v1, $0x4;
	v60 =	vand.u32 $0xF, v1  }
0xe: {  	v4 =	vsel vm1, $0xFFFFFFFF, v56;
	v6 =	vsel vm1, $0xFFFFFFFF, v6;
	v2 =	vor.u32 v3, v2  }
0xf: {  	vm1 =	veq.s32 v1, $0x80000000;
	v5 =	vand.u32 $0x1FFFF, v59;
	v7 =	vshrl.u32 v4, $0x3  }
0x10: {  	v57 =	vshll.u32 v6, $0x3;
	v4 =	vshll.u32 v4, $0x7;
	v1 =	vsel vm1, $0xFFFFFFFF, v60  }
0x11: {  	v5 =	vsel vm1, $0xFFFFFFFF, v5;
	v6 =	vand.u32 $0x7F, v6;
	v7 =	vmul.u32 $0xC3800, v7  }
0x12: {  	v58 =	vand.u32 $0xFFFFFC00, v57;
	v4 =	vand.u32 $0x380, v4;
	v61 =	vshrl.u32 v1, $0x3  }
0x13: {  	v62 =	vshll.u32 v5, $0x3;
	v3 =	vadd.s32 v7, v58;
	v7 =	vmul.u32 $0xC3800, v61  }
0x14: {  	v1 =	vshll.u32 v1, $0x7;
	v3 =	vor.u32 v4, v3;
	v4 =	vand.u32 $0xFFFFFC00, v62  }
0x15: {  	v1 =	vand.u32 $0x380, v1;
	v3 =	vor.u32 v6, v3;
	v4 =	vadd.s32 v7, v4  }
0x16: {  	[tilespmem:s16], [sflag:$0x1] =	stream.indirect_vreg.gather [hbm4b:s2+s10], $0x1, v0, vm0, $0x4038;
	v63 =	vand.u32 $0x7F, v5;
	v1 =	vor.u32 v1, v4;
	[tilespmem:$0x800] =	vst v63  }
0x17: {  	s15 =	sadd.s32 $0x10, s15;
	(ifvalue) =	ssetifvalue $0x7FFFFFFF;
	v0 =	vor.u32 v63, v1  }
0x18: {  	[tilespmem:s15], [sflag:$0x1] =	stream.indirect_vreg.gather [hbm4b:s2+s10], $0x1, v2, vm0, $0x4038;
	[tilespmem:$0x800] =	vst v63  }
0x19: {  	s15 =	sadd.s32 $0x10, s15;
	(ifvalue) =	ssetifvalue $0x7FFFFFFF  }
0x1a: {  	[tilespmem:s15], [sflag:$0x1] =	stream.indirect_vreg.gather [hbm4b:s2+s10], $0x1, v3, vm0, $0x4038;
	[tilespmem:$0x800] =	vst v63  }
0x1b: {  	s15 =	sadd.s32 $0x10, s15;
	(ifvalue) =	ssetifvalue $0x7FFFFFFF  }
0x1c: {  	[tilespmem:s15], [sflag:$0x1] =	stream.indirect_vreg.gather [hbm4b:s2+s10], $0x1, v0, vm0, $0x4038;
	[tilespmem:$0x800] =	vst v63  }
0x1d: {  	_ =	swait.ge [sflag:s6], $0x200  }
0x1e: {  	s30 =	sshrl.u32 s13, $0x3;
	[sflag:s6] =	ssyncset.done $0x0  }
0x1f: {  	s31 =	sand.u32 $0x7, s13;
	s15 =	sadd.s32 s5, s30;
	[sflag:s6] =	ssyncadd.s32 $0xFFFFFE00  }
0x20: {  	[hbm4b:s15+s31] =	stream.linear.scatter [tilespmem:s14], [sflag:$0x3], $0x200, $0x38;
	[tilespmem:$0x800] =	vst v63  }
.LBB2_5:
0x21: {  	s15 =	sadd.s32 $0x4000, s11  }
0x22: {  	p2 =	sgt.s32 s15, $0x4FFF  }
0x23: {  	s15 =	smov.u32 @p2 s3;
	p2 =	sne.s32 s12, s9  }
.Ltmp1:
0x24: {  	p1 =	slt.u32 s12, $0x2;
	(pc) =	sbr.rel @!p2 .LBB2_6-.Ltmp1, $4  }
0x25: {  	s14 =	simm.s32 @!p1 $0x3  }
0x26: {  	s16 =	sadd.s32 $0x1, s12;
	_ =	swait.ge @!p1 [sflag:s14], $0x200  }
0x27: {  	s13 =	smov.u32 s11;
	p0 =	por !p0, !p0;
	[sflag:s14] =	ssyncset.done @!p1 $0x0  }
0x28: {  	s12 =	smov.u32 s16;
	s11 =	smov.u32 s15;
	[sflag:s14] =	ssyncadd.s32 @!p1 $0xFFFFFE00  }
.LBB2_1:
0x29: {  	p1 =	sge.u32 s12, s8  }
0x2a: {  	s14 =	sxor.u32 @!p1 $0xFFFFFFFF, s12  }
0x2b: {  	s31 =	sadd.s32 $0xFFFFFFFF, s12;
	s15 =	sshrl.u32 @!p1 s11, $0x3;
	s14 =	sshll.u32 @!p1 s14, $0x9  }
0x2c: {  	s16 =	sand.u32 @!p1 $0x7, s11;
	s15 =	sadd.s32 @!p1 s4, s15;
	s14 =	sand.u32 @!p1 $0x200, s14  }
0x2d: {  	[tilespmem:s14], [sflag:$0x2] =	stream.linear.gather @!p1 [hbm4b:s15+s16], $0x200, $0x38;
	[tilespmem:$0x800] =	vst v63  }
0x2e: {  	p1 =	sge.u32 s31, s8  }
.Ltmp2:
0x2f: {  	_ = 	snop;
	(pc) =	sbr.rel @p1 .LBB2_5-.Ltmp2, $1  }
0x30: {  	_ =	sdelay $0x3  }
0x31: {  	s14 =	simm.s32 $0x1  }
0x32: {  	_ =	swait.ge [sflag:s7], $0x200;
	s14 =	simm.s32 @!p0 $0x0  }
0x33: {  	[sflag:s7] =	ssyncset.done $0x0;
	s14 =	sshll.u32 s14, $0x9  }
0x34: {  	[sflag:s7] =	ssyncadd.s32 $0xFFFFFE00;
	(ifvalue) =	ssetifvalue $0x7FFFFFFF;
	v0 =	vld.msk [tilespmem:s14+$0x0 ss:$0x1], $0xffff  }
0x35: {  	s15 =	sadd.s32 $0x10, s14  }
0x36: {  	v1 =	vld.msk [tilespmem:s15+$0x0 ss:$0x1], $0xffff;
	_ =	sdelay $0x2  }
0x37: {  	v2 =	vshrl.u32 v0, $0x4  }
0x38: {  	vm1 =	veq.s32 v0, $0x80000000;
	v0 =	vand.u32 $0xF, v0;
	v2 =	vand.u32 $0x1FFFF, v2  }
0x39: {  	v0 =	vsel vm1, $0xFFFFFFFF, v0;
	v6 =	vshrl.u32 v1, $0x4;
	v2 =	vsel vm1, $0xFFFFFFFF, v2  }
0x3a: {  	v3 =	vshrl.u32 v0, $0x3;
	v0 =	vshll.u32 v0, $0x7;
	vm1 =	veq.s32 v1, $0x80000000  }
0x3b: {  	s15 =	sadd.s32 $0x10, s15;
	v1 =	vand.u32 $0xF, v1;
	v4 =	vshll.u32 v2, $0x3;
	v3 =	vmul.u32 $0xC3800, v3  }
0x3c: {  	v0 =	vand.u32 $0x380, v0;
	v7 =	vand.u32 $0x7F, v2;
	v5 =	vand.u32 $0xFFFFFC00, v4;
	v4 =	vld.msk [tilespmem:s15+$0x0 ss:$0x1], $0xffff  }
0x3d: {  	v1 =	vsel vm1, $0xFFFFFFFF, v1;
	v2 =	vadd.s32 v3, v5;
	v3 =	vand.u32 $0x1FFFF, v6  }
0x3e: {  	v3 =	vsel vm1, $0xFFFFFFFF, v3;
	v0 =	vor.u32 v0, v2;
	v2 =	vshrl.u32 v1, $0x3  }
0x3f: {  	s16 =	sshll.u32 s12, $0x9;
	s18 =	simm.s32 $0x30;
	v1 =	vshll.u32 v1, $0x7;
	v5 =	vshll.u32 v3, $0x3;
	v8 =	vmul.u32 $0xC3800, v2  }
0x40: {  	s31 =	sand.u32 $0x200, s16;
	s17 =	sadd.s32 $0x10, s15;
	s15 =	sor.u32 $0x400, s14;
	v2 =	vand.u32 $0x380, v1;
	v0 =	vor.u32 v7, v0;
	v5 =	vand.u32 $0xFFFFFC00, v5  }
0x41: {  	s14 =	sor.u32 $0x400, s31;
	s16 =	smov.u32 s15;
	v1 =	vld.msk [tilespmem:s17+$0x0 ss:$0x1], $0xffff;
	v3 =	vand.u32 $0x7F, v3;
	(ifvalue) =	ssetifvalue $0x7FFFFFFF;
	v6 =	vshrl.u32 v4, $0x4;
	v5 =	vadd.s32 v8, v5  }
.LBB2_3:
0x42: {  	s18 =	sadd.s32 $0x10, s18  }
0x43: {  	vm1 =	veq.s32 v4, $0x80000000;
	v4 =	vand.u32 $0xF, v4;
	v6 =	vand.u32 $0x1FFFF, v6;
	s15 =	sadd.s32 $0x10, s15;
	p1 =	slt.u32 s18, $0x1F0  }
.Ltmp3:
0x44: {  	v5 =	vor.u32 v2, v5;
	v4 =	vsel vm1, $0xFFFFFFFF, v4;
	v7 =	vsel vm1, $0xFFFFFFFF, v6;
	(pc) =	sbr.rel @p1 .LBB2_3-.Ltmp3, $4  }
0x45: {  	v2 =	vshrl.u32 v4, $0x3;
	v6 =	vshll.u32 v7, $0x3;
	v4 =	vshll.u32 v4, $0x7;
	[tilespmem:s16], [sflag:$0x1] =	stream.indirect_vreg.gather [hbm4b:s2+s10], $0x1, v0, vm0, $0x4038;
	[tilespmem:$0x800] =	vst v63  }
0x46: {  	v0 =	vor.u32 v3, v5;
	s16 =	smov.u32 s15;
	v8 =	vmul.u32 $0xC3800, v2;
	v2 =	vand.u32 $0x380, v4  }
0x47: {  	s17 =	sadd.s32 $0x10, s17;
	v9 =	vand.u32 $0xFFFFFC00, v6  }
0x48: {  	v3 =	vand.u32 $0x7F, v7;
	v6 =	vshrl.u32 v1, $0x4;
	v5 =	vadd.s32 v8, v9;
	(ifvalue) =	ssetifvalue $0x7FFFFFFF;
	v4 =	vmovc v1;
	v1 =	vld.msk [tilespmem:s17+$0x0 ss:$0x1], $0xffff  }
.Ltmp4:
0x49: {  	_ = 	snop;
	(pc) =	sbr.rel .LBB2_4-.Ltmp4, $1  }
0x4a: {  	_ =	sdelay $0x3  }
.LBB2_6:
0x4b: {  	_ =	sfence.sel $0x180000  }
0x4c: {  	s2 =	simm.s32 $0x2;
	[bflag:$0x0] =	sbarrier.arrive $0xFFFF  }
0x4d: {  	s30 =	simm.s32 $0x3;
	[sflag:s2] =	ssyncpa.u1 $0x1  }
0x4e: {  	s31 =	simm.s32 $0x1;
	[sflag:s30] =	ssyncpa.u1 $0x1  }
0x4f: {  	[sflag:s31] =	ssyncpa.u1 $0x1  }
0x50: {  	p0 =	sne.s32 s0, $0x0;
	_ =	strace $0x90000047  }
0x51: {  	s0 =	sadd.s32 @!p0 $0x100000, s1;
	[bflag:$0x2] =	sbarrier.arrive $0xFFFF  }
0x52: {  	[sflag:s0] =	ssyncadd.tile.s32 @!p0 $0x1;
	_ =	shalt  }
.Lfunc_end2:
_tile_overlayer_lowered:
.L_overlay_start_2:
0x53: {  	(tag) =	ssettag $0x2  }
0x54: {  	s0 =	rddreg [dreg:$0x0];
	s2 =	stileid.u32  }
0x55: {  	s1 =	rddreg [dreg:$0x1];
	p0 =	sne.s32 s2, $0x0  }
0x56: {  	s3 =	rddreg [dreg:$0x2];
	[bflag:$0x3] =	sbarrier.arrive $0xFFFF;
	s2 =	simm.s32 @!p0 $0x1C01  }
0x57: {  	[timem:s3], [sflag:s2] =	dma.local @!p0 [hbm:s0], s1  }
0x58: {  	s0 =	simm.s32 @!p0 $0x1  }
0x59: {  	_ =	swait.ge @!p0 [sflag:s0], s1  }
0x5a: {  	s1 =	ssub.s32 @!p0 $0x0, s1;
	[sflag:s0] =	ssyncset.done @!p0 $0x0  }
0x5b: {  	[sflag:s0] =	ssyncadd.s32 @!p0 s1  }
0x5c: {  	[bflag:$0x3] =	sbarrier.arrive $0xFFFF  }
0x5d: {  	_ =	shalt  }

// kernel: gather_offload_async_start.2
scs
__scs_entry_jumppad:
0x0: {  	(pc) =	sbr.rel $0x88, $3  }
0x1: {  	(tag) =	ssettag $0x0;
	lr =	simm.s32 $0x1  }
0x2: {  	[smem:$0x3F94] =	sst lr;
	_ =	strace $0xD0000000  }
0x3: {  	_ = 	snop  }
0x4: {  	_ = 	snop  }
0x5: {  	_ = 	snop  }
0x6: {  	_ = 	snop  }
0x7: {  	_ = 	snop  }
__scs_overlays_trampoline_lowered:
0x8: {  	[smem:$0x3FA3] =	sst s0  }
0x9: {  	[smem:$0x3FA4] =	sst s1  }
0xa: {  	[smem:$0x3FA5] =	sst s2  }
0xb: {  	[smem:$0x3FA6] =	sst s3  }
0xc: {  	[smem:$0x3FA7] =	sst s4  }
0xd: {  	[smem:$0x3FA8] =	sst s5  }
0xe: {  	[smem:$0x3FA9] =	sst s6  }
0xf: {  	[smem:$0x3FAA] =	sst s7  }
0x10: {  	[smem:$0x3FAB] =	sst s8  }
0x11: {  	[smem:$0x3FAC] =	sst s9;
	s0 =	simm.s32 @!p0 $0x0  }
0x12: {  	s1 =	sld [smem:$0x3F92];
	s0 =	simm.s32 @p0 $0x1  }
0x13: {  	[smem:$0x3FAD] =	sst s0;
	s0 =	simm.s32 @!p1 $0x0  }
0x14: {  	s2 =	sld [smem:$0x3F91];
	s0 =	simm.s32 @p1 $0x1  }
0x15: {  	[smem:$0x3FAE] =	sst s0;
	s0 =	simm.s32 @!p2 $0x0  }
0x16: {  	s3 =	sld [smem:$0x3FDB];
	s0 =	simm.s32 @p2 $0x1  }
0x17: {  	s4 =	simm.s32 $0x1BF5;
	[smem:$0x3FB0] =	sst s0  }
0x18: {  	s0 =	sld [smem:$0x3F93];
	_ =	swait.ge [sflag:s4], $0x0  }
0x19: {  	s7 =	sld [smem:$0x3F94]  }
0x1a: {  	s8 =	sadd.s32 $0xFFFFE003, lr  }
0x1b: {  	s9 =	sadd.s32 $0xFFFFFEF7, lr;
	s5 =	simm.s32 $0xFFFFFFFF;
	p2 =	slt.u32 s8, $0xFFFFF086  }
0x1c: {  	p1 =	slt.u32 s9, $0xF7A;
	s5 =	simm.s32 @!p2 $0x0  }
0x1d: {  	s5 =	simm.s32 @p1 $0x1;
	p0 =	seq.s32 s7, s2  }
0x1e: {  	s7 =	smul.u32 @!p0 $0xF7A, s2;
	p2 =	seq.s32 @!p0 s5, $0x0  }
0x1f: {  	s9 =	smul.u32 $0xF7A, s1;
	s8 =	simm.s32 @!p0 $0x1BF5;
	p2 =	por !p2, p0  }
0x20: {  	[sflag:s8] =	ssyncset.s32 @!p0 $0xFFFFF086;
	s6 =	sadd.s32 @!p0 s3, s7;
	s7 =	simm.s32 @!p0 $0x108  }
0x21: {  	s3 =	sadd.s32 s3, s9;
	s6 =	sadd.s32 @!p0 $0x88, s6;
	s7 =	simm.s32 @p2 $0x1082  }
0x22: {  	[simem:s7], [sflag:s8] =	dma.local @!p0 [hbm:s6], $0xF7A  }
0x23: {  	s9 =	sor.u32 $0xD0000000, s2;
	s6 =	simm.s32 $0x108;
	_ =	swait.ge @!p0 [sflag:s8], $0x0  }
0x24: {  	s3 =	sadd.s32 $0x88, s3;
	s6 =	simm.s32 @!p1 $0x1082;
	[sflag:s4] =	ssyncset.s32 $0xFFFFF086  }
0x25: {  	[simem:s6], [sflag:s4] =	dma.local [hbm:s3], $0xF7A  }
0x26: {  	[smem:$0x3F94] =	sst s1;
	(tag) =	ssettag s2;
	_ =	strace s9  }
0x27: {  	s1 =	sld [smem:$0x3FA4]  }
0x28: {  	s2 =	sld [smem:$0x3FA5]  }
0x29: {  	s4 =	sld [smem:$0x3FA7]  }
0x2a: {  	p0 =	seq.s32 s5, $0x0;
	s5 =	sld [smem:$0x3FA8]  }
0x2b: {  	s6 =	sld [smem:$0x3FA9]  }
0x2c: {  	s7 =	sld [smem:$0x3FAA]  }
0x2d: {  	s3 =	simm.s32 $0x108;
	s8 =	sld [smem:$0x3FAB]  }
0x2e: {  	s3 =	simm.s32 @!p0 $0x1082;
	s9 =	sld [smem:$0x3FAC]  }
0x2f: {  	lr =	sadd.s32 s0, s3;
	s0 =	sld [smem:$0x3FA3]  }
0x30: {  	s3 =	sld [smem:$0x3FA6]  }
0x31: {  	[smem:$0x3FAF] =	sst s10  }
0x32: {  	s10 =	sld [smem:$0x3FAD];
	_ =	sdelay $0x3  }
0x33: {  	p0 =	seq.s32 s10, $0x1;
	s10 =	sld [smem:$0x3FAF];
	_ =	sdelay $0x3  }
0x34: {  	[smem:$0x3FAF] =	sst s10  }
0x35: {  	s10 =	sld [smem:$0x3FAE];
	_ =	sdelay $0x3  }
0x36: {  	p1 =	seq.s32 s10, $0x1;
	s10 =	sld [smem:$0x3FAF];
	_ =	sdelay $0x3  }
0x37: {  	[smem:$0x3FAF] =	sst s10  }
0x38: {  	s10 =	sld [smem:$0x3FB0]  }
0x39: {  	_ = 	snop;
	(pc) =	sbr.ind lr, $3  }
0x3a: {  	_ = 	snop  }
0x3b: {  	_ = 	snop  }
0x3c: {  	p2 =	seq.s32 s10, $0x1;
	s10 =	sld [smem:$0x3FAF]  }
0x3d: {  	_ =	shalt  }
0x3e: {  	_ =	shalt  }
0x3f: {  	_ =	shalt  }
0x40: {  	_ =	shalt  }
0x41: {  	_ =	shalt  }
0x42: {  	_ =	shalt  }
0x43: {  	_ =	shalt  }
0x44: {  	_ =	shalt  }
0x45: {  	_ =	shalt  }
0x46: {  	_ =	shalt  }
0x47: {  	_ =	shalt  }
0x48: {  	_ =	shalt  }
0x49: {  	_ =	shalt  }
0x4a: {  	_ =	shalt  }
0x4b: {  	_ =	shalt  }
0x4c: {  	_ =	shalt  }
0x4d: {  	_ =	shalt  }
0x4e: {  	_ =	shalt  }
0x4f: {  	_ =	shalt  }
0x50: {  	_ =	shalt  }
0x51: {  	_ =	shalt  }
0x52: {  	_ =	shalt  }
0x53: {  	_ =	shalt  }
0x54: {  	_ =	shalt  }
0x55: {  	_ =	shalt  }
0x56: {  	_ =	shalt  }
0x57: {  	_ =	shalt  }
0x58: {  	_ =	shalt  }
0x59: {  	_ =	shalt  }
0x5a: {  	_ =	shalt  }
0x5b: {  	_ =	shalt  }
0x5c: {  	_ =	shalt  }
0x5d: {  	_ =	shalt  }
0x5e: {  	_ =	shalt  }
0x5f: {  	_ =	shalt  }
0x60: {  	_ =	shalt  }
0x61: {  	_ =	shalt  }
0x62: {  	_ =	shalt  }
0x63: {  	_ =	shalt  }
0x64: {  	_ =	shalt  }
0x65: {  	_ =	shalt  }
0x66: {  	_ =	shalt  }
0x67: {  	_ =	shalt  }
0x68: {  	_ =	shalt  }
0x69: {  	_ =	shalt  }
0x6a: {  	_ =	shalt  }
0x6b: {  	_ =	shalt  }
0x6c: {  	_ =	shalt  }
0x6d: {  	_ =	shalt  }
0x6e: {  	_ =	shalt  }
0x6f: {  	_ =	shalt  }
0x70: {  	_ =	shalt  }
0x71: {  	_ =	shalt  }
0x72: {  	_ =	shalt  }
0x73: {  	_ =	shalt  }
0x74: {  	_ =	shalt  }
0x75: {  	_ =	shalt  }
0x76: {  	_ =	shalt  }
0x77: {  	_ =	shalt  }
0x78: {  	_ =	shalt  }
0x79: {  	_ =	shalt  }
0x7a: {  	_ =	shalt  }
0x7b: {  	_ =	shalt  }
0x7c: {  	_ =	shalt  }
0x7d: {  	_ =	shalt  }
0x7e: {  	_ =	shalt  }
0x7f: {  	_ =	shalt  }
0x80: {  	_ =	shalt  }
0x81: {  	_ =	shalt  }
0x82: {  	_ =	shalt  }
0x83: {  	_ =	shalt  }
0x84: {  	_ =	shalt  }
0x85: {  	_ =	shalt  }
0x86: {  	_ =	shalt  }
0x87: {  	_ =	shalt  }
.Lfunc_end0:
.L_simem_size_0:
called_computation.2_lowered:
.L_overlay_start_0:
0x88: {  	s2 =	sld [smem:$0x3FD9]  }
0x89: {  	s3 =	sld [smem:$0x3FFE];
	_ =	sdelay $0x1  }
0x8a: {  	s1 =	srdreg.scid  }
0x8b: {  	s0 =	sand.u32 $0x1, s1  }
0x8c: {  	s14 =	sshll.u32 s0, $0xA;
	s2 =	sadd.s32 s3, s2  }
0x8d: {  	s2 =	sadd.s32 s2, s14  }
0x8e: {  	[smem:$0x3FBB] =	sst s2  }
0x8f: {  	_ = 	snop  }
0x90: {  	s2 =	sld [smem:$0x3FD0];
	_ =	sdelay $0x2  }
0x91: {  	s15 =	simm.s32 $0xA;
	s4 =	simm.s32 $0x10  }
0x92: {  	[smem:s4], [sflag:s15] =	dma.local [hbm:s2], $0x1  }
0x93: {  	_ =	swait.eq [sflag:s15], $0x1  }
0x94: {  	[sflag:s15] =	ssyncset.done $0x0  }
0x95: {  	s16 =	sld [smem:$0x12];
	[sflag:s15] =	ssyncadd.s32 $0xFFFFFFFF  }
0x96: {  	s17 =	sld [smem:$0x13];
	(tm) =	ssettm $0x1  }
0x97: {  	s18 =	sld [smem:$0x3FFB];
	_ =	sdelay $0x3  }
0x98: {  	_ =	strace s18  }
0x99: {  	s4 =	sld [smem:$0x3FFC];
	_ =	sdelay $0x3  }
0x9a: {  	_ =	strace s4  }
0x9b: {  	s4 =	sld [smem:$0x3FFD];
	_ =	sdelay $0x3  }
0x9c: {  	_ =	strace s4  }
0x9d: {  	_ =	strace $0x8FFFFFFF  }
0x9e: {  	s19 =	sld [smem:$0x3FDB];
	_ =	sdelay $0x1  }
0x9f: {  	s5 =	simm.s32 $_scs_section_size  }
0xa0: {  	s6 =	simm.s32 $_size__tile_overlayer_lowered;
	s7 =	simm.s32 $_tile_overlayer_lowered  }
0xa1: {  	s22 =	simm.s32 $0x1BFF;
	s21 =	sshll.u32 s7, $0x1;
	s4 =	sadd.s32 s5, s19  }
0xa2: {  	s8 =	simm.s32 $0x0;
	s20 =	sshll.u32 s6, $0x1;
	s6 =	sadd.s32 s21, s4  }
0xa3: {  	[timem:s8], [sflag:s22] =	dma.local [hbm:s6], s20  }
0xa4: {  	_ =	swait.ge [sflag:s22], s20  }
0xa5: {  	s5 =	ssub.s32 $0x0, s20;
	[sflag:s22] =	ssyncset.done $0x0  }
0xa6: {  	[sflag:s22] =	ssyncadd.s32 s5;
	_ =	sdelay $0x1  }
0xa7: {  	s23 =	simm.s32 $0x1B8B  }
0xa8: {  	_ =	swait.ge [sflag:s23], $0x1  }
0xa9: {  	[sflag:s23] =	ssyncset.done $0x0  }
0xaa: {  	s25 =	simm.s32 $0x1B8E;
	s24 =	sld [smem:$0x3FFE];
	[sflag:s23] =	ssyncadd.s32 $0xFFFFFFFF  }
0xab: {  	s26 =	simm.s32 $execute0_lowered;
	[smem:$0x3FD2] =	sst s25  }
0xac: {  	s6 =	sshll.u32 s26, $0x1;
	_ =	strace $0x80000049;
	[dreg:$0x1] =	wrdreg $0xFFFFFFFF  }
0xad: {  	s28 =	simm.s32 $_size_execute0_lowered;
	s4 =	sadd.s32 s4, s6;
	[dreg:$0x0] =	wrdreg $0x0  }
0xae: {  	s6 =	sshll.u32 s28, $0x1;
	[dreg:$0x2] =	wrdreg s4  }
0xaf: {  	[dreg:$0x3] =	wrdreg s6  }
0xb0: {  	[dreg:$0x4] =	wrdreg $0xC0  }
0xb1: {  	_ =	task [dreg:s8], $0x5FFFF  }
0xb2: {  	[dreg:$0x1] =	wrdreg $0xFFFFFFFF  }
0xb3: {  	[dreg:$0x0] =	wrdreg $0x60  }
0xb4: {  	[dreg:$0x2] =	wrdreg s24  }
0xb5: {  	[dreg:$0x3] =	wrdreg s17  }
0xb6: {  	[dreg:$0x4] =	wrdreg s16  }
0xb7: {  	[dreg:$0x5] =	wrdreg $0x9  }
0xb8: {  	_ =	task.clear_ibuf [dreg:s8], $0x6FFFF;
	_ =	strace $0x90000049  }
0xb9: {  	s29 =	simm.s32 $0x9;
	_ =	strace $0x8000004B  }
0xba: {  	_ =	swait.ge [sflag:s29], $0x1  }
0xbb: {  	[sflag:s29] =	ssyncadd.s32 $0xFFFFFFFF  }
0xbc: {  	_ =	strace $0x9000004B  }
0xbd: {  	_ =	sfence  }
0xbe: {  	s30 =	sld [smem:$0x0];
	_ =	sdelay $0x2  }
0xbf: {  	s31 =	sshll.u32 s1, $0xD;
	s1 =	sshrl.u32 s1, $0x2  }
0xc0: {  	s3 =	sand.u32 $0x4000, s31;
	s1 =	sadd.s32 s1, s30  }
0xc1: {  	s0 =	sor.u32 s3, s0;
	s1 =	sshll.u32 s1, $0x11  }
0xc2: {  	s0 =	sor.u32 s1, s0  }
0xc3: {  	s0 =	sadd.s32 $0x8F2B, s0  }
0xc4: {  	[sflag:s0] =	ssyncadd.remote.s32 $0x1  }
0xc5: {  	_ =	sfence.sel $0xFFFF  }
0xc6: {  	[dreg:$0x0] =	wrdreg $0xFFFFFFFF;
	(pc) =	sbr.abs _section_cstart, $3  }
0xc7: {  	[dreg:$0x1] =	wrdreg $0xFFFFFFFF  }
0xc8: {  	_ =	task.clear_ibuf [dreg:s8], $0x2FFFF;
	_ =	strace $0x9FFFFFFF  }
0xc9: {  	(tm) =	ssettm $0x7FFFFFFF  }
tec
execute0_lowered:
.L_overlay_start_1:
0x0: {  	(tag) =	ssettag $0x1  }
0x1: {  	s2 =	rddreg [dreg:$0x0]  }
0x2: {  	s1 =	srdreg.scid;
	s3 =	rddreg [dreg:$0x1]  }
0x3: {  	s0 =	stileid.u32;
	s4 =	rddreg [dreg:$0x2];
	s1 =	sshll.u32 s1, $0x5  }
0x4: {  	s6 =	simm.s32 $0x1;
	s5 =	sshll.u32 s0, $0x6;
	s1 =	sand.u32 $0x20, s1  }
0x5: {  	s9 =	simm.s32 $0x1;
	s10 =	simm.s32 $0x3;
	s5 =	sor.u32 s5, s1  }
0x6: {  	s13 =	simm.s32 $0x0;
	s1 =	rddreg [dreg:$0x3];
	s8 =	ssub.s32 $0x500, s5  }
.Ltmp0:
0x7: {  	_ =	strace $0x8000004A;
	s7 =	sand.u32 $0x3E0, s8;
	(pc) =	sbr.rel .LBB2_1-.Ltmp0, $4  }
0x8: {  	s12 =	simm.s32 $0x0;
	[sflag:s6] =	ssyncpa.u1 $0x0;
	p0 =	sne.s32 s7, $0x0  }
0x9: {  	s8 =	sshrl.u32 s8, $0xA;
	s7 =	simm.s32 $0x2;
	s9 =	simm.s32 @!p0 $0x0  }
0xa: {  	s11 =	smov.u32 s5;
	[sflag:s7] =	ssyncpa.u1 $0x0;
	s8 =	sadd.s32 s9, s8  }
0xb: {  	vm0 =	vmmov $0xffff;
	[sflag:s10] =	ssyncpa.u1 $0x0;
	s10 =	simm.s32 $0x0;
	s9 =	sadd.s32 $0x1, s8  }
.LBB2_5:
0xc: {  	s15 =	sadd.s32 $0x400, s11  }
0xd: {  	p1 =	sgt.s32 s15, $0x4FF  }
0xe: {  	s15 =	smov.u32 @p1 s5;
	p1 =	sne.s32 s12, s9  }
.Ltmp1:
0xf: {  	p0 =	slt.u32 s12, $0x2;
	(pc) =	sbr.rel @!p1 .LBB2_6-.Ltmp1, $4  }
0x10: {  	s14 =	simm.s32 @!p0 $0x3  }
0x11: {  	_ =	swait.ge @!p0 [sflag:s14], $0x20  }
0x12: {  	s16 =	sadd.s32 $0x1, s12;
	s13 =	smov.u32 s11;
	[sflag:s14] =	ssyncset.done @!p0 $0x0  }
0x13: {  	s12 =	smov.u32 s16;
	s11 =	smov.u32 s15;
	[sflag:s14] =	ssyncadd.s32 @!p0 $0xFFFFFFE0  }
.LBB2_1:
0x14: {  	p0 =	sge.u32 s12, s8  }
0x15: {  	s14 =	sxor.u32 @!p0 $0xFFFFFFFF, s12  }
0x16: {  	s31 =	sadd.s32 $0xFFFFFFFF, s12;
	s15 =	sshrl.u32 @!p0 s11, $0x3;
	s14 =	sshll.u32 @!p0 s14, $0x5  }
0x17: {  	s16 =	sand.u32 @!p0 $0x7, s11;
	s15 =	sadd.s32 @!p0 s3, s15;
	s14 =	sand.u32 @!p0 $0x20, s14  }
0x18: {  	[tilespmem:s14], [sflag:$0x2] =	stream.linear.gather @!p0 [hbm4b:s15+s16], $0x20, $0x38;
	[tilespmem:$0x80] =	vst v63  }
0x19: {  	p0 =	sge.u32 s31, s8  }
.Ltmp2:
0x1a: {  	_ = 	snop;
	(pc) =	sbr.rel @p0 .LBB2_5-.Ltmp2, $1  }
0x1b: {  	_ =	sdelay $0x3  }
0x1c: {  	_ =	swait.ge [sflag:s7], $0x20;
	s14 =	sshll.u32 s12, $0x5;
	s16 =	simm.s32 $0x0  }
0x1d: {  	p0 =	por $0x1, $0x1;
	[sflag:s7] =	ssyncset.done $0x0;
	s15 =	sand.u32 $0x20, s14  }
0x1e: {  	[sflag:s7] =	ssyncadd.s32 $0xFFFFFFE0;
	(ifvalue) =	ssetifvalue $0x7FFFFFFF;
	s14 =	sor.u32 $0x40, s15  }
.LBB2_3:
0x1f: {  	s17 =	sadd.s32 s16, s15  }
0x20: {  	v0 =	vld.msk [tilespmem:s17+$0x0 ss:$0x1], $0xffff;
	_ =	sdelay $0x4  }
0x21: {  	vm1 =	veq.s32 v0, $0x80000000;
	v1 =	vand.u32 $0xF, v0;
	v0 =	vshrl.u32 v0, $0x4  }
0x22: {  	v1 =	vsel vm1, $0xFFFFFFFF, v1;
	v0 =	vand.u32 $0x7FF, v0  }
0x23: {  	v0 =	vsel vm1, $0xFFFFFFFF, v0;
	v2 =	vshrl.u32 v1, $0x3  }
0x24: {  	v2 =	vmul.u32 $0x2800, v2;
	v3 =	vshll.u32 v0, $0x3  }
0x25: {  	v1 =	vshll.u32 v1, $0x7;
	v3 =	vand.u32 $0xFFFFFC00, v3  }
0x26: {  	v1 =	vand.u32 $0x380, v1;
	v2 =	vadd.s32 v2, v3  }
0x27: {  	v0 =	vand.u32 $0x7F, v0;
	v1 =	vor.u32 v1, v2  }
0x28: {  	p1 =	por p0, p0;
	v0 =	vor.u32 v0, v1  }
.Ltmp3:
0x29: {  	_ = 	snop;
	(pc) =	sbr.rel @p1 .LBB2_3-.Ltmp3, $4  }
0x2a: {  	_ = 	snop  }
0x2b: {  	s31 =	sadd.s32 s16, s14  }
0x2c: {  	s16 =	simm.s32 $0x10;
	p0 =	por $0x0, $0x0;
	(ifvalue) =	ssetifvalue $0x7FFFFFFF  }
0x2d: {  	[tilespmem:s31], [sflag:$0x1] =	stream.indirect_vreg.gather [hbm4b:s2+s10], $0x1, v0, vm0, $0x4038;
	[tilespmem:$0x80] =	vst v63  }
.Ltmp4:
0x2e: {  	(pc) =	sbr.rel .LBB2_5-.Ltmp4, $4  }
0x2f: {  	_ =	swait.ge [sflag:s6], $0x20  }
0x30: {  	s15 =	sshrl.u32 s13, $0x3;
	[sflag:s6] =	ssyncset.done $0x0  }
0x31: {  	s31 =	sand.u32 $0x7, s13;
	s15 =	sadd.s32 s4, s15;
	[sflag:s6] =	ssyncadd.s32 $0xFFFFFFE0  }
0x32: {  	[hbm4b:s15+s31] =	stream.linear.scatter [tilespmem:s14], [sflag:$0x3], $0x20, $0x38;
	[tilespmem:$0x80] =	vst v63  }
.LBB2_6:
0x33: {  	_ =	sfence.sel $0x180000  }
0x34: {  	s2 =	simm.s32 $0x2;
	[bflag:$0x0] =	sbarrier.arrive $0xFFFF  }
0x35: {  	s30 =	simm.s32 $0x3;
	[sflag:s2] =	ssyncpa.u1 $0x1  }
0x36: {  	s31 =	simm.s32 $0x1;
	[sflag:s30] =	ssyncpa.u1 $0x1  }
0x37: {  	[sflag:s31] =	ssyncpa.u1 $0x1  }
0x38: {  	p0 =	sne.s32 s0, $0x0;
	_ =	strace $0x9000004A  }
0x39: {  	s0 =	sadd.s32 @!p0 $0x100000, s1;
	[bflag:$0x2] =	sbarrier.arrive $0xFFFF  }
0x3a: {  	[sflag:s0] =	ssyncadd.tile.s32 @!p0 $0x1;
	_ =	shalt  }
.Lfunc_end2:
_tile_overlayer_lowered:
.L_overlay_start_2:
0x3b: {  	(tag) =	ssettag $0x2  }
0x3c: {  	s0 =	rddreg [dreg:$0x0];
	s2 =	stileid.u32  }
0x3d: {  	s1 =	rddreg [dreg:$0x1];
	p0 =	sne.s32 s2, $0x0  }
0x3e: {  	s3 =	rddreg [dreg:$0x2];
	[bflag:$0x3] =	sbarrier.arrive $0xFFFF;
	s2 =	simm.s32 @!p0 $0x1C01  }
0x3f: {  	[timem:s3], [sflag:s2] =	dma.local @!p0 [hbm:s0], s1  }
0x40: {  	s0 =	simm.s32 @!p0 $0x1  }
0x41: {  	_ =	swait.ge @!p0 [sflag:s0], s1  }
0x42: {  	s1 =	ssub.s32 @!p0 $0x0, s1;
	[sflag:s0] =	ssyncset.done @!p0 $0x0  }
0x43: {  	[sflag:s0] =	ssyncadd.s32 @!p0 s1  }
0x44: {  	[bflag:$0x3] =	sbarrier.arrive $0xFFFF  }
0x45: {  	_ =	shalt  }

// kernel: gather_offload_async_start
scs
__scs_entry_jumppad:
0x0: {  	(pc) =	sbr.rel $0x88, $3  }
0x1: {  	(tag) =	ssettag $0x0;
	lr =	simm.s32 $0x1  }
0x2: {  	[smem:$0x3F94] =	sst lr;
	_ =	strace $0xD0000000  }
0x3: {  	_ = 	snop  }
0x4: {  	_ = 	snop  }
0x5: {  	_ = 	snop  }
0x6: {  	_ = 	snop  }
0x7: {  	_ = 	snop  }
__scs_overlays_trampoline_lowered:
0x8: {  	[smem:$0x3FA3] =	sst s0  }
0x9: {  	[smem:$0x3FA4] =	sst s1  }
0xa: {  	[smem:$0x3FA5] =	sst s2  }
0xb: {  	[smem:$0x3FA6] =	sst s3  }
0xc: {  	[smem:$0x3FA7] =	sst s4  }
0xd: {  	[smem:$0x3FA8] =	sst s5  }
0xe: {  	[smem:$0x3FA9] =	sst s6  }
0xf: {  	[smem:$0x3FAA] =	sst s7  }
0x10: {  	[smem:$0x3FAB] =	sst s8  }
0x11: {  	[smem:$0x3FAC] =	sst s9;
	s0 =	simm.s32 @!p0 $0x0  }
0x12: {  	s1 =	sld [smem:$0x3F92];
	s0 =	simm.s32 @p0 $0x1  }
0x13: {  	[smem:$0x3FAD] =	sst s0;
	s0 =	simm.s32 @!p1 $0x0  }
0x14: {  	s2 =	sld [smem:$0x3F91];
	s0 =	simm.s32 @p1 $0x1  }
0x15: {  	[smem:$0x3FAE] =	sst s0;
	s0 =	simm.s32 @!p2 $0x0  }
0x16: {  	s3 =	sld [smem:$0x3FDB];
	s0 =	simm.s32 @p2 $0x1  }
0x17: {  	s4 =	simm.s32 $0x1BF5;
	[smem:$0x3FB0] =	sst s0  }
0x18: {  	s0 =	sld [smem:$0x3F93];
	_ =	swait.ge [sflag:s4], $0x0  }
0x19: {  	s7 =	sld [smem:$0x3F94]  }
0x1a: {  	s8 =	sadd.s32 $0xFFFFE003, lr  }
0x1b: {  	s9 =	sadd.s32 $0xFFFFFEF7, lr;
	s5 =	simm.s32 $0xFFFFFFFF;
	p2 =	slt.u32 s8, $0xFFFFF086  }
0x1c: {  	p1 =	slt.u32 s9, $0xF7A;
	s5 =	simm.s32 @!p2 $0x0  }
0x1d: {  	s5 =	simm.s32 @p1 $0x1;
	p0 =	seq.s32 s7, s2  }
0x1e: {  	s7 =	smul.u32 @!p0 $0xF7A, s2;
	p2 =	seq.s32 @!p0 s5, $0x0  }
0x1f: {  	s9 =	smul.u32 $0xF7A, s1;
	s8 =	simm.s32 @!p0 $0x1BF5;
	p2 =	por !p2, p0  }
0x20: {  	[sflag:s8] =	ssyncset.s32 @!p0 $0xFFFFF086;
	s6 =	sadd.s32 @!p0 s3, s7;
	s7 =	simm.s32 @!p0 $0x108  }
0x21: {  	s3 =	sadd.s32 s3, s9;
	s6 =	sadd.s32 @!p0 $0x88, s6;
	s7 =	simm.s32 @p2 $0x1082  }
0x22: {  	[simem:s7], [sflag:s8] =	dma.local @!p0 [hbm:s6], $0xF7A  }
0x23: {  	s9 =	sor.u32 $0xD0000000, s2;
	s6 =	simm.s32 $0x108;
	_ =	swait.ge @!p0 [sflag:s8], $0x0  }
0x24: {  	s3 =	sadd.s32 $0x88, s3;
	s6 =	simm.s32 @!p1 $0x1082;
	[sflag:s4] =	ssyncset.s32 $0xFFFFF086  }
0x25: {  	[simem:s6], [sflag:s4] =	dma.local [hbm:s3], $0xF7A  }
0x26: {  	[smem:$0x3F94] =	sst s1;
	(tag) =	ssettag s2;
	_ =	strace s9  }
0x27: {  	s1 =	sld [smem:$0x3FA4]  }
0x28: {  	s2 =	sld [smem:$0x3FA5]  }
0x29: {  	s4 =	sld [smem:$0x3FA7]  }
0x2a: {  	p0 =	seq.s32 s5, $0x0;
	s5 =	sld [smem:$0x3FA8]  }
0x2b: {  	s6 =	sld [smem:$0x3FA9]  }
0x2c: {  	s7 =	sld [smem:$0x3FAA]  }
0x2d: {  	s3 =	simm.s32 $0x108;
	s8 =	sld [smem:$0x3FAB]  }
0x2e: {  	s3 =	simm.s32 @!p0 $0x1082;
	s9 =	sld [smem:$0x3FAC]  }
0x2f: {  	lr =	sadd.s32 s0, s3;
	s0 =	sld [smem:$0x3FA3]  }
0x30: {  	s3 =	sld [smem:$0x3FA6]  }
0x31: {  	[smem:$0x3FAF] =	sst s10  }
0x32: {  	s10 =	sld [smem:$0x3FAD];
	_ =	sdelay $0x3  }
0x33: {  	p0 =	seq.s32 s10, $0x1;
	s10 =	sld [smem:$0x3FAF];
	_ =	sdelay $0x3  }
0x34: {  	[smem:$0x3FAF] =	sst s10  }
0x35: {  	s10 =	sld [smem:$0x3FAE];
	_ =	sdelay $0x3  }
0x36: {  	p1 =	seq.s32 s10, $0x1;
	s10 =	sld [smem:$0x3FAF];
	_ =	sdelay $0x3  }
0x37: {  	[smem:$0x3FAF] =	sst s10  }
0x38: {  	s10 =	sld [smem:$0x3FB0]  }
0x39: {  	_ = 	snop;
	(pc) =	sbr.ind lr, $3  }
0x3a: {  	_ = 	snop  }
0x3b: {  	_ = 	snop  }
0x3c: {  	p2 =	seq.s32 s10, $0x1;
	s10 =	sld [smem:$0x3FAF]  }
0x3d: {  	_ =	shalt  }
0x3e: {  	_ =	shalt  }
0x3f: {  	_ =	shalt  }
0x40: {  	_ =	shalt  }
0x41: {  	_ =	shalt  }
0x42: {  	_ =	shalt  }
0x43: {  	_ =	shalt  }
0x44: {  	_ =	shalt  }
0x45: {  	_ =	shalt  }
0x46: {  	_ =	shalt  }
0x47: {  	_ =	shalt  }
0x48: {  	_ =	shalt  }
0x49: {  	_ =	shalt  }
0x4a: {  	_ =	shalt  }
0x4b: {  	_ =	shalt  }
0x4c: {  	_ =	shalt  }
0x4d: {  	_ =	shalt  }
0x4e: {  	_ =	shalt  }
0x4f: {  	_ =	shalt  }
0x50: {  	_ =	shalt  }
0x51: {  	_ =	shalt  }
0x52: {  	_ =	shalt  }
0x53: {  	_ =	shalt  }
0x54: {  	_ =	shalt  }
0x55: {  	_ =	shalt  }
0x56: {  	_ =	shalt  }
0x57: {  	_ =	shalt  }
0x58: {  	_ =	shalt  }
0x59: {  	_ =	shalt  }
0x5a: {  	_ =	shalt  }
0x5b: {  	_ =	shalt  }
0x5c: {  	_ =	shalt  }
0x5d: {  	_ =	shalt  }
0x5e: {  	_ =	shalt  }
0x5f: {  	_ =	shalt  }
0x60: {  	_ =	shalt  }
0x61: {  	_ =	shalt  }
0x62: {  	_ =	shalt  }
0x63: {  	_ =	shalt  }
0x64: {  	_ =	shalt  }
0x65: {  	_ =	shalt  }
0x66: {  	_ =	shalt  }
0x67: {  	_ =	shalt  }
0x68: {  	_ =	shalt  }
0x69: {  	_ =	shalt  }
0x6a: {  	_ =	shalt  }
0x6b: {  	_ =	shalt  }
0x6c: {  	_ =	shalt  }
0x6d: {  	_ =	shalt  }
0x6e: {  	_ =	shalt  }
0x6f: {  	_ =	shalt  }
0x70: {  	_ =	shalt  }
0x71: {  	_ =	shalt  }
0x72: {  	_ =	shalt  }
0x73: {  	_ =	shalt  }
0x74: {  	_ =	shalt  }
0x75: {  	_ =	shalt  }
0x76: {  	_ =	shalt  }
0x77: {  	_ =	shalt  }
0x78: {  	_ =	shalt  }
0x79: {  	_ =	shalt  }
0x7a: {  	_ =	shalt  }
0x7b: {  	_ =	shalt  }
0x7c: {  	_ =	shalt  }
0x7d: {  	_ =	shalt  }
0x7e: {  	_ =	shalt  }
0x7f: {  	_ =	shalt  }
0x80: {  	_ =	shalt  }
0x81: {  	_ =	shalt  }
0x82: {  	_ =	shalt  }
0x83: {  	_ =	shalt  }
0x84: {  	_ =	shalt  }
0x85: {  	_ =	shalt  }
0x86: {  	_ =	shalt  }
0x87: {  	_ =	shalt  }
.Lfunc_end0:
.L_simem_size_0:
called_computation_lowered:
.L_overlay_start_0:
0x88: {  	s2 =	sld [smem:$0x3FD9]  }
0x89: {  	s3 =	sld [smem:$0x3FFE];
	_ =	sdelay $0x1  }
0x8a: {  	s1 =	srdreg.scid  }
0x8b: {  	s0 =	sand.u32 $0x1, s1  }
0x8c: {  	s14 =	sshll.u32 s0, $0xA;
	s2 =	sadd.s32 s3, s2  }
0x8d: {  	s2 =	sadd.s32 s2, s14  }
0x8e: {  	[smem:$0x3FBB] =	sst s2  }
0x8f: {  	_ = 	snop  }
0x90: {  	s2 =	sld [smem:$0x3FD0];
	_ =	sdelay $0x2  }
0x91: {  	s4 =	simm.s32 $0xA;
	s5 =	simm.s32 $0x10;
	s15 =	sld [smem:$0x3FC5]  }
0x92: {  	[smem:s5], [sflag:s4] =	dma.local [hbm:s2], $0x1  }
0x93: {  	_ =	swait.eq [sflag:s4], $0x1  }
0x94: {  	[sflag:s4] =	ssyncset.done $0x0  }
0x95: {  	[sflag:s4] =	ssyncadd.s32 $0xFFFFFFFF  }
0x96: {  	s16 =	sld [smem:$0x13];
	(tm) =	ssettm $0x1  }
0x97: {  	s17 =	sld [smem:$0x3FFB];
	_ =	sdelay $0x3  }
0x98: {  	_ =	strace s17  }
0x99: {  	s4 =	sld [smem:$0x3FFC];
	_ =	sdelay $0x3  }
0x9a: {  	_ =	strace s4  }
0x9b: {  	s4 =	sld [smem:$0x3FFD];
	_ =	sdelay $0x3  }
0x9c: {  	_ =	strace s4  }
0x9d: {  	_ =	strace $0x8FFFFFFF  }
0x9e: {  	s18 =	sld [smem:$0x3FDB];
	_ =	sdelay $0x1  }
0x9f: {  	s19 =	simm.s32 $_scs_section_size  }
0xa0: {  	s6 =	simm.s32 $_size__tile_overlayer_lowered;
	s7 =	simm.s32 $_tile_overlayer_lowered  }
0xa1: {  	s22 =	simm.s32 $0x1BFF;
	s21 =	sshll.u32 s7, $0x1;
	s4 =	sadd.s32 s19, s18  }
0xa2: {  	s8 =	simm.s32 $0x0;
	s20 =	sshll.u32 s6, $0x1;
	s6 =	sadd.s32 s21, s4  }
0xa3: {  	[timem:s8], [sflag:s22] =	dma.local [hbm:s6], s20  }
0xa4: {  	_ =	swait.ge [sflag:s22], s20  }
0xa5: {  	s5 =	ssub.s32 $0x0, s20;
	[sflag:s22] =	ssyncset.done $0x0  }
0xa6: {  	[sflag:s22] =	ssyncadd.s32 s5;
	_ =	sdelay $0x1  }
0xa7: {  	s23 =	simm.s32 $0x1B8B  }
0xa8: {  	_ =	swait.ge [sflag:s23], $0x1  }
0xa9: {  	[sflag:s23] =	ssyncset.done $0x0  }
0xaa: {  	s25 =	simm.s32 $0x1B8E;
	s24 =	sld [smem:$0x3FFE];
	[sflag:s23] =	ssyncadd.s32 $0xFFFFFFFF  }
0xab: {  	s26 =	simm.s32 $execute0_lowered;
	[smem:$0x3FD2] =	sst s25  }
0xac: {  	s6 =	sshll.u32 s26, $0x1;
	_ =	strace $0x8000004C;
	[dreg:$0x1] =	wrdreg $0xFFFFFFFF  }
0xad: {  	s28 =	simm.s32 $_size_execute0_lowered;
	s4 =	sadd.s32 s4, s6;
	[dreg:$0x0] =	wrdreg $0x0  }
0xae: {  	s6 =	sshll.u32 s28, $0x1;
	[dreg:$0x2] =	wrdreg s4  }
0xaf: {  	[dreg:$0x3] =	wrdreg s6  }
0xb0: {  	[dreg:$0x4] =	wrdreg $0xC0  }
0xb1: {  	_ =	task [dreg:s8], $0x5FFFF  }
0xb2: {  	[dreg:$0x1] =	wrdreg $0xFFFFFFFF  }
0xb3: {  	[dreg:$0x0] =	wrdreg $0x60  }
0xb4: {  	[dreg:$0x2] =	wrdreg s15  }
0xb5: {  	[dreg:$0x3] =	wrdreg s16  }
0xb6: {  	[dreg:$0x4] =	wrdreg s24  }
0xb7: {  	[dreg:$0x5] =	wrdreg $0x9  }
0xb8: {  	_ =	task.clear_ibuf [dreg:s8], $0x6FFFF;
	_ =	strace $0x9000004C  }
0xb9: {  	s29 =	simm.s32 $0x9;
	_ =	strace $0x8000004E  }
0xba: {  	_ =	swait.ge [sflag:s29], $0x1  }
0xbb: {  	[sflag:s29] =	ssyncadd.s32 $0xFFFFFFFF  }
0xbc: {  	_ =	strace $0x9000004E  }
0xbd: {  	_ =	sfence  }
0xbe: {  	s30 =	sld [smem:$0x0];
	_ =	sdelay $0x2  }
0xbf: {  	s31 =	sshll.u32 s1, $0xD;
	s1 =	sshrl.u32 s1, $0x2  }
0xc0: {  	s3 =	sand.u32 $0x4000, s31;
	s1 =	sadd.s32 s1, s30  }
0xc1: {  	s0 =	sor.u32 s3, s0;
	s1 =	sshll.u32 s1, $0x11  }
0xc2: {  	s0 =	sor.u32 s1, s0  }
0xc3: {  	s0 =	sadd.s32 $0x8F2B, s0  }
0xc4: {  	[sflag:s0] =	ssyncadd.remote.s32 $0x1  }
0xc5: {  	_ =	sfence.sel $0xFFFF  }
0xc6: {  	[dreg:$0x0] =	wrdreg $0xFFFFFFFF;
	(pc) =	sbr.abs _section_cstart, $3  }
0xc7: {  	[dreg:$0x1] =	wrdreg $0xFFFFFFFF  }
0xc8: {  	_ =	task.clear_ibuf [dreg:s8], $0x2FFFF;
	_ =	strace $0x9FFFFFFF  }
0xc9: {  	(tm) =	ssettm $0x7FFFFFFF  }
tec
execute0_lowered:
.L_overlay_start_1:
0x0: {  	(tag) =	ssettag $0x1  }
0x1: {  	s0 =	srdreg.scid  }
0x2: {  	s1 =	sshll.u32 s0, $0x4  }
0x3: {  	s0 =	stileid.u32;
	s1 =	sand.u32 $0x10, s1  }
0x4: {  	s1 =	sor.u32 s0, s1  }
0x5: {  	s4 =	rddreg [dreg:$0x1];
	s2 =	smin.u32 s1, $0x8  }
0x6: {  	p0 =	slt.u32 s1, $0x8;
	s3 =	sadd.s32 s1, s2;
	s1 =	simm.s32 $0x40  }
0x7: {  	s5 =	rddreg [dreg:$0x2];
	s3 =	sshll.u32 s3, $0x5;
	s1 =	simm.s32 @!p0 $0x20  }
0x8: {  	s7 =	simm.s32 $0x1;
	s8 =	simm.s32 $0x2;
	s1 =	sadd.s32 s1, s3  }
0x9: {  	s10 =	simm.s32 $0x3;
	s13 =	simm.s32 $0x0;
	s6 =	smin.u32 s1, $0x500  }
.Ltmp0:
0xa: {  	s2 =	rddreg [dreg:$0x0];
	s9 =	ssub.s32 s6, s3;
	(pc) =	sbr.rel .LBB2_1-.Ltmp0, $4  }
0xb: {  	s1 =	rddreg [dreg:$0x3];
	_ =	strace $0x8000004D;
	p0 =	sgt.s32 s9, $0x0  }
0xc: {  	s12 =	simm.s32 $0x0;
	[sflag:s7] =	ssyncpa.u1 $0x0;
	s9 =	simm.s32 @!p0 $0x0  }
0xd: {  	s11 =	smov.u32 s3;
	[sflag:s8] =	ssyncpa.u1 $0x0;
	s9 =	sshrl.u32 s9, $0x5  }
0xe: {  	vm0 =	vmmov $0xff;
	vm1 =	vcmask $0x3F20;
	[sflag:s10] =	ssyncpa.u1 $0x0;
	p0 =	por $0x0, $0x0;
	s10 =	sadd.s32 $0x1, s9  }
.LBB2_9:
0xf: {  	s13 =	sadd.s32 $0x20, s11  }
0x10: {  	s15 =	smov.u32 s3;
	p2 =	slt.s32 s13, s6  }
0x11: {  	s15 =	smov.u32 @p2 s13;
	p2 =	sne.s32 s12, s10  }
.Ltmp1:
0x12: {  	p1 =	slt.u32 s12, $0x2;
	(pc) =	sbr.rel @!p2 .LBB2_10-.Ltmp1, $4  }
0x13: {  	s14 =	simm.s32 @!p1 $0x3  }
0x14: {  	s16 =	sadd.s32 $0x1, s12;
	_ =	swait.ge @!p1 [sflag:s14], $0x6000  }
0x15: {  	p0 =	por !p0, !p0;
	s13 =	smov.u32 s11;
	[sflag:s14] =	ssyncset.done @!p1 $0x0  }
0x16: {  	s12 =	smov.u32 s16;
	s11 =	smov.u32 s15;
	[sflag:s14] =	ssyncadd.s32 @!p1 $0xFFFFA000  }
.LBB2_1:
0x17: {  	p1 =	sge.u32 s12, s9  }
0x18: {  	s14 =	sxor.u32 @!p1 $0xFFFFFFFF, s12  }
0x19: {  	s31 =	sadd.s32 $0xFFFFFFFF, s12;
	s15 =	sshrl.u32 @!p1 s11, $0x3;
	s14 =	sshll.u32 @!p1 s14, $0x5  }
0x1a: {  	s16 =	sand.u32 @!p1 $0x7, s11;
	s15 =	sadd.s32 @!p1 s4, s15;
	s14 =	sand.u32 @!p1 $0x20, s14  }
0x1b: {  	[tilespmem:s14], [sflag:$0x2] =	stream.linear.gather @!p1 [hbm4b:s15+s16], $0x20, $0x38;
	[tilespmem:$0xC040] =	vst v63  }
0x1c: {  	p1 =	sge.u32 s31, s9  }
.Ltmp2:
0x1d: {  	_ = 	snop;
	(pc) =	sbr.rel @p1 .LBB2_9-.Ltmp2, $1  }
0x1e: {  	_ =	sdelay $0x3  }
0x1f: {  	s14 =	simm.s32 $0x1  }
0x20: {  	s14 =	simm.s32 @!p0 $0x0  }
0x21: {  	_ =	swait.ge [sflag:s8], $0x20;
	s14 =	smul.u32 $0x18000, s14  }
0x22: {  	s15 =	sand.u32 $0x1, s12;
	s17 =	simm.s32 $0x0;
	p2 =	por $0x1, $0x1  }
0x23: {  	[sflag:s8] =	ssyncset.done $0x0;
	s15 =	sshll.u32 s15, $0x5;
	s16 =	sshrl.u32 s14, $0x2  }
0x24: {  	[sflag:s8] =	ssyncadd.s32 $0xFFFFFFE0;
	s14 =	sor.u32 $0x40, s16;
	s16 =	sadd.s32 $0x40, s16  }
.LBB2_3:
0x25: {  	s18 =	sshll.u32 s17, $0x4  }
0x26: {  	s18 =	sand.u32 $0x3FFFFFF0, s18  }
0x27: {  	s18 =	sadd.s32 s18, s15  }
0x28: {  	v0 =	vld.msk [tilespmem:s18+$0x0 ss:$0x1], $0xffff;
	_ =	sdelay $0x4  }
0x29: {  	vm2 =	vgt.s32 v0, $0x0  }
0x2a: {  	v0 =	vnsel vm2, $0x0, v0  }
0x2b: {  	v0 =	vmin.u32 v0, $0x1869F  }
0x2c: {  	v1 =	vshrl.u32 v0, $0x3  }
0x2d: {  	v0 =	vshll.u32 v0, $0x7;
	v1 =	vmul.u32 $0x1800, v1  }
0x2e: {  	v0 =	vand.u32 $0x380, v0  }
0x2f: {  	v0 =	vor.u32 v0, v1  }
0x30: {  	s31 =	smul.u32 $0xC000, s17;
	v0 =	vshrl.u32 v0, $0x3;
	_ =	sdelay $0x1  }
0x31: {  	s17 =	sshra.s32 s31, $0x2  }
0x32: {  	s17 =	sadd.s32 s17, s16  }
0x33: {  	s19 =	sadd.s32 $0x0, s17  }
0x34: {  	[tilespmem:s19], [sflag:$0x1] =	stream.indirect_vreg.gather [hbm:s2], $0x80, v0, vm0, $0x38;
	[tilespmem:$0xC040] =	vst v63  }
0x35: {  	p1 =	por p2, p2;
	s18 =	simm.s32 $0x1000;
	v1 =	vadd.s32 $0x80, v0;
	s19 =	sadd.s32 $0x1800, s19  }
.LBB2_4:
0x36: {  	[tilespmem:s19], [sflag:$0x1] =	stream.indirect_vreg.gather [hbm:s2], $0x80, v0, vm1, $0x38;
	[tilespmem:$0xC040] =	vst v63  }
0x37: {  	v0 =	vmov v1;
	s19 =	smov.u32 s18;
	p2 =	sne.s32 s18, $0x5000  }
.Ltmp3:
0x38: {  	s18 =	sadd.s32 $0x1000, s18;
	(pc) =	sbr.rel @p2 .LBB2_4-.Ltmp3, $4  }
0x39: {  	s19 =	sshra.s32 s19, $0x2  }
0x3a: {  	s19 =	sadd.s32 s19, s17  }
0x3b: {  	[tilespmem:s19], [sflag:$0x1] =	stream.indirect_vreg.gather [hbm:s2], $0x80, v1, vm0, $0x38;
	[tilespmem:$0xC040] =	vst v63  }
0x3c: {  	s19 =	sadd.s32 $0x1800, s19;
	v1 =	vadd.s32 $0x80, v1  }
0x3d: {  	_ = 	snop  }
.Ltmp4:
0x3e: {  	_ = 	snop;
	(pc) =	sbr.rel @p1 .LBB2_3-.Ltmp4, $3  }
0x3f: {  	_ =	sdelay $0x1  }
0x40: {  	[tilespmem:s19], [sflag:$0x1] =	stream.indirect_vreg.gather [hbm:s2], $0x80, v0, vm1, $0x38;
	[tilespmem:$0xC040] =	vst v63  }
0x41: {  	s17 =	simm.s32 $0x1;
	p2 =	por $0x0, $0x0  }
0x42: {  	s15 =	sshrl.u32 s13, $0x3  }
0x43: {  	s15 =	smul.u32 $0x300, s15  }
0x44: {  	s31 =	sshll.u32 s13, $0x4  }
0x45: {  	_ =	swait.ge [sflag:s7], $0x6000;
	s13 =	sand.u32 $0x70, s31;
	s15 =	sadd.s32 s15, s5  }
0x46: {  	s16 =	sadd.s32 $0x1800, s14;
	[sflag:s7] =	ssyncset.done $0x0;
	s13 =	sadd.s32 s13, s15  }
0x47: {  	[sflag:s7] =	ssyncadd.s32 $0xFFFFA000;
	s15 =	simm.s32 $0x300;
	s17 =	sadd.s32 $0x0, s13  }
.LBB2_7:
0x48: {  	[hbm:s17] =	stream.linear.scatter [tilespmem:s14], [sflag:$0x3], $0x1800, $0x38;
	[tilespmem:$0xC040] =	vst v63  }
0x49: {  	s17 =	smov.u32 s15;
	s14 =	smov.u32 s16;
	p1 =	sne.s32 s15, $0x900  }
.Ltmp5:
0x4a: {  	s15 =	sadd.s32 $0x300, s15;
	(pc) =	sbr.rel @p1 .LBB2_7-.Ltmp5, $2  }
0x4b: {  	_ =	sdelay $0x2  }
0x4c: {  	s16 =	sadd.s32 $0x1800, s16;
	s17 =	sadd.s32 s17, s13  }
.Ltmp6:
0x4d: {  	(pc) =	sbr.rel .LBB2_9-.Ltmp6, $2  }
0x4e: {  	_ =	sdelay $0x2  }
0x4f: {  	[hbm:s17] =	stream.linear.scatter [tilespmem:s14], [sflag:$0x3], $0x1800, $0x38;
	[tilespmem:$0xC040] =	vst v63  }
.LBB2_10:
0x50: {  	_ =	sfence.sel $0x180000  }
0x51: {  	s2 =	simm.s32 $0x2;
	[bflag:$0x0] =	sbarrier.arrive $0xFFFF  }
0x52: {  	s30 =	simm.s32 $0x3;
	[sflag:s2] =	ssyncpa.u1 $0x1  }
0x53: {  	s31 =	simm.s32 $0x1;
	[sflag:s30] =	ssyncpa.u1 $0x1  }
0x54: {  	[sflag:s31] =	ssyncpa.u1 $0x1  }
0x55: {  	p0 =	sne.s32 s0, $0x0;
	_ =	strace $0x9000004D  }
0x56: {  	s0 =	sadd.s32 @!p0 $0x100000, s1;
	[bflag:$0x2] =	sbarrier.arrive $0xFFFF  }
0x57: {  	[sflag:s0] =	ssyncadd.tile.s32 @!p0 $0x1;
	_ =	shalt  }
.Lfunc_end2:
_tile_overlayer_lowered:
.L_overlay_start_2:
0x58: {  	(tag) =	ssettag $0x2  }
0x59: {  	s0 =	rddreg [dreg:$0x0];
	s2 =	stileid.u32  }
0x5a: {  	s1 =	rddreg [dreg:$0x1];
	p0 =	sne.s32 s2, $0x0  }
0x5b: {  	s3 =	rddreg [dreg:$0x2];
	[bflag:$0x3] =	sbarrier.arrive $0xFFFF;
	s2 =	simm.s32 @!p0 $0x1C01  }
0x5c: {  	[timem:s3], [sflag:s2] =	dma.local @!p0 [hbm:s0], s1  }
0x5d: {  	s0 =	simm.s32 @!p0 $0x1  }
0x5e: {  	_ =	swait.ge @!p0 [sflag:s0], s1  }
0x5f: {  	s1 =	ssub.s32 @!p0 $0x0, s1;
	[sflag:s0] =	ssyncset.done @!p0 $0x0  }
0x60: {  	[sflag:s0] =	ssyncadd.s32 @!p0 s1  }
0x61: {  	[bflag:$0x3] =	sbarrier.arrive $0xFFFF  }
0x62: {  	_ =	shalt  }

</sc_bundles>
